<compile_context>
chip_gen: v7x
topology: tpu7x:2x2x1
jax: 0.10.2.dev20260603
libtpu: 0.0.44.dev20260713+nightly
codegen_flags: <defaults>
</compile_context>

<pallas_src>
import jax
import jax.numpy as jnp
from jax import lax
from jax.experimental import pallas as pl
from jax.experimental.pallas import tpu as pltpu
from jax.experimental.pallas import tpu_sc as plsc

BN_EPS = 1e-5

_NC = 2
_NS = 16
_NW = _NC * _NS
_L = 16

_CHUNK = 128


def _sc_segment_sum(embeddings, idx_i32, B, off, nrows):
    _, D = embeddings.shape
    pair_rows = 2 * _CHUNK
    npairs = nrows // pair_rows
    steps = -(-npairs // _NW)
    rows_per_tile = B // _NS

    mesh = plsc.VectorSubcoreMesh(core_axis_name="c", subcore_axis_name="s")

    def body(emb_hbm, idx_hbm, out_hbm, rows0, rows1, idx0, idx1,
             zbuf, acc, sem0, sem1):
        rows_b = (rows0, rows1)
        idx_b = (idx0, idx1)
        sems = (sem0, sem1)
        c = lax.axis_index("c")
        s = lax.axis_index("s")
        wid = c * _NS + s

        @pl.loop(0, rows_per_tile)
        def _(r):
            for j in range(D // _L):
                zbuf[r, pl.ds(j * _L, _L)] = jnp.zeros((_L,), jnp.float32)

        pltpu.sync_copy(zbuf, acc.at[pl.ds(s * rows_per_tile, rows_per_tile)])
        plsc.subcore_barrier()

        def gather_descs(pid, b):
            base = pl.multiple_of(off + pid * pair_rows, 8)
            return (
                (emb_hbm.at[pl.ds(base, pair_rows)], rows_b[b]),
                (idx_hbm.at[pl.ds(base, _CHUNK)], idx_b[b].at[0]),
                (idx_hbm.at[pl.ds(base + _CHUNK, _CHUNK)], idx_b[b].at[1]),
            )

        def issue(t, b):
            pid = wid + _NW * t

            @pl.when(pid < npairs)
            def _():
                for src, dst in gather_descs(pid, b):
                    pltpu.async_copy(src, dst, sems[b])

        issue(0, 0)
        issue(1, 1)

        @pl.loop(0, 2 * (-(-steps // 2)), step=2)
        def _(t):
            for dt in range(2):
                b = dt
                pid = wid + _NW * (t + dt)

                @pl.when(pid < npairs)
                def _():
                    for src, dst in gather_descs(pid, b):
                        pltpu.make_async_copy(src, dst, sems[b]).wait()
                    pltpu.sync_copy(rows_b[b].at[pl.ds(0, _CHUNK)],
                                    acc.at[idx_b[b].at[0]], add=True)
                    pltpu.sync_copy(rows_b[b].at[pl.ds(_CHUNK, _CHUNK)],
                                    acc.at[idx_b[b].at[1]], add=True)
                issue_t = t + dt + 2
                issue(issue_t, b)

        plsc.subcore_barrier()
        row0 = s * rows_per_tile
        pltpu.sync_copy(acc.at[pl.ds(row0, rows_per_tile)],
                        out_hbm.at[c, pl.ds(row0, rows_per_tile)])

    k = pl.kernel(
        body,
        out_type=jax.ShapeDtypeStruct((_NC, B, D), jnp.float32),
        mesh=mesh,
        scratch_types=[
            pltpu.VMEM((pair_rows, D), jnp.float32),
            pltpu.VMEM((pair_rows, D), jnp.float32),
            pltpu.VMEM((2, _CHUNK), jnp.int32),
            pltpu.VMEM((2, _CHUNK), jnp.int32),
            pltpu.VMEM((rows_per_tile, D), jnp.float32),
            pltpu.VMEM_SHARED((B, D), jnp.float32),
            pltpu.SemaphoreType.DMA,
            pltpu.SemaphoreType.DMA,
        ],
    )
    return k(embeddings, idx_i32)


_TC_BLK = 2048


def _tc_partial_segsum(embeddings, idx2d, B, nrows):
    N, D = embeddings.shape
    nblk = nrows // _TC_BLK

    W = 64
    H = _TC_BLK // 2

    def body(idx_ref, emb0_ref, emb1_ref, o_ref, acc_ref):
        i = pl.program_id(0)

        @pl.when(i == 0)
        def _():
            acc_ref[...] = jnp.zeros_like(acc_ref)

        def seg_dot(onehot):
            return (lax.dot_general(
                        onehot[:, :H], emb0_ref[...], (((1,), (0,)), ((), ())),
                        precision=lax.Precision.DEFAULT,
                        preferred_element_type=jnp.float32)
                    + lax.dot_general(
                        onehot[:, H:], emb1_ref[...], (((1,), (0,)), ((), ())),
                        precision=lax.Precision.DEFAULT,
                        preferred_element_type=jnp.float32))

        lo = idx_ref[0, 0]
        hi = idx_ref[0, _TC_BLK - 1]
        lo8 = jnp.minimum((lo // 8) * 8, B - W)

        @pl.when(hi - lo8 < W)
        def _():
            seg = lax.broadcasted_iota(jnp.int32, (W, _TC_BLK), 0) + lo8
            onehot = (seg == idx_ref[...]).astype(jnp.float32)
            acc_ref[pl.ds(lo8, W), :] += seg_dot(onehot)

        @pl.when(hi - lo8 >= W)
        def _():
            seg = lax.broadcasted_iota(jnp.int32, (B, _TC_BLK), 0)
            onehot = (seg == idx_ref[...]).astype(jnp.float32)
            acc_ref[...] += seg_dot(onehot)

        @pl.when(i == nblk - 1)
        def _():
            o_ref[...] = acc_ref[...]

    return pl.pallas_call(
        body,
        grid=(nblk,),
        in_specs=[
            pl.BlockSpec((1, _TC_BLK), lambda i: (0, i)),
            pl.BlockSpec((_TC_BLK // 2, D), lambda i: (2 * i, 0)),
            pl.BlockSpec((_TC_BLK // 2, D), lambda i: (2 * i + 1, 0)),
        ],
        out_specs=pl.BlockSpec((B, D), lambda i: (0, 0)),
        out_shape=jax.ShapeDtypeStruct((B, D), jnp.float32),
        scratch_shapes=[pltpu.VMEM((B, D), jnp.float32)],
    )(idx2d, embeddings, embeddings)


def _tc_mlp(partials, tc_partial, embeddings, idx2d, tail_off, tail_rows,
            virtual_node, W1, b1, g1, be1, W2, b2, g2, be2):
    B, D = virtual_node.shape

    def body(p_ref, pt_ref, temb_ref, tidx_ref, vn_ref, w1_ref, b1_ref,
             g1_ref, be1_ref, w2_ref, b2_ref, g2_ref, be2_ref, o_ref):
        seg = lax.broadcasted_iota(jnp.int32, (B, tail_rows), 0)
        tidx = tidx_ref[0:1, tail_off:tail_off + tail_rows]
        tail_oh = (seg == tidx).astype(jnp.float32)
        tail_sum = lax.dot_general(
            tail_oh, temb_ref[...], (((1,), (0,)), ((), ())),
            precision=lax.Precision.DEFAULT,
            preferred_element_type=jnp.float32)
        vn = vn_ref[...] + (p_ref[0] + p_ref[1] + pt_ref[...] + tail_sum)
        h = lax.dot_general(vn, w1_ref[...], (((1,), (0,)), ((), ())),
                            precision=lax.Precision.DEFAULT,
                            preferred_element_type=jnp.float32)
        h = h + b1_ref[...]
        mu = jnp.mean(h, axis=0, keepdims=True)
        var = jnp.mean((h - mu) * (h - mu), axis=0, keepdims=True)
        h = (h - mu) / jnp.sqrt(var + BN_EPS) * g1_ref[...] + be1_ref[...]
        h = jnp.maximum(h, 0.0)
        h = lax.dot_general(h, w2_ref[...], (((1,), (0,)), ((), ())),
                            precision=lax.Precision.DEFAULT,
                            preferred_element_type=jnp.float32)
        h = h + b2_ref[...]
        mu2 = jnp.mean(h, axis=0, keepdims=True)
        var2 = jnp.mean((h - mu2) * (h - mu2), axis=0, keepdims=True)
        h = (h - mu2) / jnp.sqrt(var2 + BN_EPS) * g2_ref[...] + be2_ref[...]
        o_ref[...] = jnp.maximum(h, 0.0)

    D2 = W1.shape[1]
    full = lambda shape: pl.BlockSpec(shape, lambda i: tuple(0 for _ in shape))
    return pl.pallas_call(
        body,
        grid=(1,),
        in_specs=[
            full((2, B, D)),
            full((B, D)),
            pl.BlockSpec((tail_rows, D), lambda i: (tail_off // tail_rows, 0)),
            full((1, idx2d.shape[1])),
            full((B, D)),
            full((D, D2)),
            full((1, D2)),
            full((1, D2)),
            full((1, D2)),
            full((D2, D)),
            full((1, D)),
            full((1, D)),
            full((1, D)),
        ],
        out_specs=full((B, D)),
        out_shape=jax.ShapeDtypeStruct((B, D), jnp.float32),
    )(partials, tc_partial, embeddings, idx2d, virtual_node, W1,
      b1.reshape(1, -1), g1.reshape(1, -1), be1.reshape(1, -1), W2,
      b2.reshape(1, -1), g2.reshape(1, -1), be2.reshape(1, -1))


_TC_NBLK = 20


def kernel(virtual_node, embeddings, batch_idx, W1, b1, g1, be1,
           W2, b2, g2, be2):
    B = virtual_node.shape[0]
    N = embeddings.shape[0]
    idx_i32 = batch_idx.astype(jnp.int32)
    idx2d = idx_i32.reshape(1, -1)
    tc_rows = _TC_NBLK * _TC_BLK
    sc_rows = (N - tc_rows) // 256 * 256
    tail_off = tc_rows + sc_rows
    tail_rows = N - tail_off
    assert tail_rows > 0 and tail_off % tail_rows == 0
    sc_partials = _sc_segment_sum(embeddings, idx_i32, B, tc_rows, sc_rows)
    tc_partial = _tc_partial_segsum(embeddings, idx2d, B, tc_rows)
    return _tc_mlp(sc_partials, tc_partial, embeddings, idx2d, tail_off,
                   tail_rows, virtual_node, W1, b1, g1, be1, W2, b2, g2, be2)

# --- scband reference (transcript-rebuilt; emitter-appended) ---
"""Pipeline reference for scband-vnagg-45552423142047 (READ-ONLY COPY).

The authoritative reference and input builder live on the scoring server;
editing this copy changes nothing except your own understanding.
"""

import jax, jax.numpy as jnp
import numpy as np

BN_EPS = 1e-5

def _bn(x, gamma, beta):
    mu = jnp.mean(x, axis=0, keepdims=True)
    var = jnp.var(x, axis=0, keepdims=True)
    xhat = (x - mu) / jnp.sqrt(var + BN_EPS)
    return xhat * gamma + beta

def setup_inputs(seed: int = 0) -> dict:
    key = jax.random.key(seed)
    ks = jax.random.split(key, 12)
    B, N, D = 256, 100000, 128
    virtual_node = jax.random.normal(ks[0], (B, D), dtype=jnp.float32)
    embeddings = jax.random.normal(ks[1], (N, D), dtype=jnp.float32)
    batch_idx = jnp.sort(jax.random.randint(ks[2], (N,), 0, B, dtype=jnp.int64))
    # MLP(dim, dim): Linear(D, 2D) -> BN(2D) -> ReLU -> Linear(2D, D), then outer BN(D) -> ReLU
    W1 = jax.random.normal(ks[3], (D, 2 * D), dtype=jnp.float32) * (1.0 / np.sqrt(D))
    b1 = jnp.zeros((2 * D,), dtype=jnp.float32)
    g1 = jnp.ones((2 * D,), dtype=jnp.float32)
    be1 = jnp.zeros((2 * D,), dtype=jnp.float32)
    W2 = jax.random.normal(ks[4], (2 * D, D), dtype=jnp.float32) * (1.0 / np.sqrt(2 * D))
    b2 = jnp.zeros((D,), dtype=jnp.float32)
    g2 = jnp.ones((D,), dtype=jnp.float32)
    be2 = jnp.zeros((D,), dtype=jnp.float32)
    return {"virtual_node": virtual_node, "embeddings": embeddings, "batch_idx": batch_idx,
            "W1": W1, "b1": b1, "g1": g1, "be1": be1,
            "W2": W2, "b2": b2, "g2": g2, "be2": be2}

def reference(virtual_node, embeddings, batch_idx, W1, b1, g1, be1, W2, b2, g2, be2):
    eps = 0.0  # train_eps=False, eps=0.0 (non-trainable buffer)
    B = virtual_node.shape[0]
    # nng.global_add_pool == segment sum over graph ids
    sum_embeddings = jax.ops.segment_sum(embeddings, batch_idx, num_segments=B)
    vn = (1.0 + eps) * virtual_node + sum_embeddings
    # MLP: Linear -> BN -> ReLU -> Linear
    h = vn @ W1 + b1
    h = _bn(h, g1, be1)
    h = jax.nn.relu(h)
    h = h @ W2 + b2
    # outer BN -> ReLU
    h = _bn(h, g2, be2)
    h = jax.nn.relu(h)
    return h

if __name__ == "__main__":
    import jax
    _d = setup_inputs()
    print(jax.jit(kernel)(*tuple(_d.values())))

</pallas_src>

<mosaic_0001>
#map = affine_map<(d0, d1) -> (0, 0)>
#map1 = affine_map<(d0, d1) -> (0)>
#map2 = affine_map<(d0, d1) -> (0, 0, 0)>
module attributes {stable_mosaic.version = 14 : i64} {
  func.func @body(%arg0: i32, %arg1: i32, %arg2: memref<100000x128xf32, #tpu.memory_space<hbm>>, %arg3: memref<100000xi32, #tpu.memory_space<hbm>>, %arg4: memref<2x256x128xf32, #tpu.memory_space<hbm>>, %arg5: memref<256x128xf32, #tpu.memory_space<vmem>>, %arg6: memref<256x128xf32, #tpu.memory_space<vmem>>, %arg7: memref<2x128xi32, #tpu.memory_space<vmem>>, %arg8: memref<2x128xi32, #tpu.memory_space<vmem>>, %arg9: memref<16x128xf32, #tpu.memory_space<vmem>>, %arg10: memref<256x128xf32, #tpu.memory_space<vmem_shared>>, %arg11: memref<!tpu.dma_semaphore, #tpu.memory_space<semaphore_mem>>, %arg12: memref<!tpu.dma_semaphore, #tpu.memory_space<semaphore_mem>>) attributes {dimension_semantics = [#tpu.dimension_semantics<core_parallel>, #tpu.dimension_semantics<subcore_parallel>], iteration_bounds = array<i64: 2, 16>, scalar_prefetch = 0 : i64, scratch_operands = 8 : i64, tpu.core_type = #tpu.core_type<sc_vector_subcore>, window_params = [{transform_indices = #map}, {transform_indices = #map1}, {transform_indices = #map2}]} {
    %mul3A = arith.constant 16 : i32
    %mul3A_0 = arith.muli %arg0, %mul3A : i32
    %add3A = arith.addi %mul3A_0, %arg1 : i32
    %scan3A = arith.constant 0 : i32
    %scan3A_1 = arith.constant 16 : i32
    %scan3A_2 = arith.addi %scan3A, %scan3A_1 : i32
    %scan3A_3 = arith.constant 1 : i32
    scf.for %scan3A_26 = %scan3A to %scan3A_2 step %scan3A_3  : i32 {
      %mul3A_27 = arith.constant 1 : i32
      %mul3A_28 = arith.muli %scan3A_26, %mul3A_27 : i32
      %add3A_29 = arith.constant 0 : i32
      %add3A_30 = arith.addi %add3A_29, %mul3A_28 : i32
      %broadcast_in_dim3A = arith.constant 0.000000e+00 : f32
      %broadcast_in_dim3A_31 = vector.broadcast %broadcast_in_dim3A : f32 to vector<16xf32>
      %swap3A = arith.index_cast %add3A_30 : i32 to index
      %swap3A_32 = arith.constant 0 : index
      %swap3A_33 = tpu.vector_load %arg9[%swap3A, %swap3A_32] {strides = array<i32>} : memref<16x128xf32, #tpu.memory_space<vmem>>, vector<1x16xf32>,
      %swap3A_34 = vector.shape_cast %swap3A_33 : vector<1x16xf32> to vector<16xf32>
      %swap3A_35 = vector.shape_cast %broadcast_in_dim3A_31 : vector<16xf32> to vector<1x16xf32>
      tpu.vector_store %arg9[%swap3A, %swap3A_32], %swap3A_35 {strides = array<i32>} : memref<16x128xf32, #tpu.memory_space<vmem>>, vector<1x16xf32>,
      %broadcast_in_dim3A_36 = arith.constant 0.000000e+00 : f32
      %broadcast_in_dim3A_37 = vector.broadcast %broadcast_in_dim3A_36 : f32 to vector<16xf32>
      %swap3A_38 = arith.index_cast %add3A_30 : i32 to index
      %swap3A_39 = arith.constant 16 : index
      %swap3A_40 = tpu.vector_load %arg9[%swap3A_38, %swap3A_39] {strides = array<i32>} : memref<16x128xf32, #tpu.memory_space<vmem>>, vector<1x16xf32>,
      %swap3A_41 = vector.shape_cast %swap3A_40 : vector<1x16xf32> to vector<16xf32>
      %swap3A_42 = vector.shape_cast %broadcast_in_dim3A_37 : vector<16xf32> to vector<1x16xf32>
      tpu.vector_store %arg9[%swap3A_38, %swap3A_39], %swap3A_42 {strides = array<i32>} : memref<16x128xf32, #tpu.memory_space<vmem>>, vector<1x16xf32>,
      %broadcast_in_dim3A_43 = arith.constant 0.000000e+00 : f32
      %broadcast_in_dim3A_44 = vector.broadcast %broadcast_in_dim3A_43 : f32 to vector<16xf32>
      %swap3A_45 = arith.index_cast %add3A_30 : i32 to index
      %swap3A_46 = arith.constant 32 : index
      %swap3A_47 = tpu.vector_load %arg9[%swap3A_45, %swap3A_46] {strides = array<i32>} : memref<16x128xf32, #tpu.memory_space<vmem>>, vector<1x16xf32>,
      %swap3A_48 = vector.shape_cast %swap3A_47 : vector<1x16xf32> to vector<16xf32>
      %swap3A_49 = vector.shape_cast %broadcast_in_dim3A_44 : vector<16xf32> to vector<1x16xf32>
      tpu.vector_store %arg9[%swap3A_45, %swap3A_46], %swap3A_49 {strides = array<i32>} : memref<16x128xf32, #tpu.memory_space<vmem>>, vector<1x16xf32>,
      %broadcast_in_dim3A_50 = arith.constant 0.000000e+00 : f32
      %broadcast_in_dim3A_51 = vector.broadcast %broadcast_in_dim3A_50 : f32 to vector<16xf32>
      %swap3A_52 = arith.index_cast %add3A_30 : i32 to index
      %swap3A_53 = arith.constant 48 : index
      %swap3A_54 = tpu.vector_load %arg9[%swap3A_52, %swap3A_53] {strides = array<i32>} : memref<16x128xf32, #tpu.memory_space<vmem>>, vector<1x16xf32>,
      %swap3A_55 = vector.shape_cast %swap3A_54 : vector<1x16xf32> to vector<16xf32>
      %swap3A_56 = vector.shape_cast %broadcast_in_dim3A_51 : vector<16xf32> to vector<1x16xf32>
      tpu.vector_store %arg9[%swap3A_52, %swap3A_53], %swap3A_56 {strides = array<i32>} : memref<16x128xf32, #tpu.memory_space<vmem>>, vector<1x16xf32>,
      %broadcast_in_dim3A_57 = arith.constant 0.000000e+00 : f32
      %broadcast_in_dim3A_58 = vector.broadcast %broadcast_in_dim3A_57 : f32 to vector<16xf32>
      %swap3A_59 = arith.index_cast %add3A_30 : i32 to index
      %swap3A_60 = arith.constant 64 : index
      %swap3A_61 = tpu.vector_load %arg9[%swap3A_59, %swap3A_60] {strides = array<i32>} : memref<16x128xf32, #tpu.memory_space<vmem>>, vector<1x16xf32>,
      %swap3A_62 = vector.shape_cast %swap3A_61 : vector<1x16xf32> to vector<16xf32>
      %swap3A_63 = vector.shape_cast %broadcast_in_dim3A_58 : vector<16xf32> to vector<1x16xf32>
      tpu.vector_store %arg9[%swap3A_59, %swap3A_60], %swap3A_63 {strides = array<i32>} : memref<16x128xf32, #tpu.memory_space<vmem>>, vector<1x16xf32>,
      %broadcast_in_dim3A_64 = arith.constant 0.000000e+00 : f32
      %broadcast_in_dim3A_65 = vector.broadcast %broadcast_in_dim3A_64 : f32 to vector<16xf32>
      %swap3A_66 = arith.index_cast %add3A_30 : i32 to index
      %swap3A_67 = arith.constant 80 : index
      %swap3A_68 = tpu.vector_load %arg9[%swap3A_66, %swap3A_67] {strides = array<i32>} : memref<16x128xf32, #tpu.memory_space<vmem>>, vector<1x16xf32>,
      %swap3A_69 = vector.shape_cast %swap3A_68 : vector<1x16xf32> to vector<16xf32>
      %swap3A_70 = vector.shape_cast %broadcast_in_dim3A_65 : vector<16xf32> to vector<1x16xf32>
      tpu.vector_store %arg9[%swap3A_66, %swap3A_67], %swap3A_70 {strides = array<i32>} : memref<16x128xf32, #tpu.memory_space<vmem>>, vector<1x16xf32>,
      %broadcast_in_dim3A_71 = arith.constant 0.000000e+00 : f32
      %broadcast_in_dim3A_72 = vector.broadcast %broadcast_in_dim3A_71 : f32 to vector<16xf32>
      %swap3A_73 = arith.index_cast %add3A_30 : i32 to index
      %swap3A_74 = arith.constant 96 : index
      %swap3A_75 = tpu.vector_load %arg9[%swap3A_73, %swap3A_74] {strides = array<i32>} : memref<16x128xf32, #tpu.memory_space<vmem>>, vector<1x16xf32>,
      %swap3A_76 = vector.shape_cast %swap3A_75 : vector<1x16xf32> to vector<16xf32>
      %swap3A_77 = vector.shape_cast %broadcast_in_dim3A_72 : vector<16xf32> to vector<1x16xf32>
      tpu.vector_store %arg9[%swap3A_73, %swap3A_74], %swap3A_77 {strides = array<i32>} : memref<16x128xf32, #tpu.memory_space<vmem>>, vector<1x16xf32>,
      %broadcast_in_dim3A_78 = arith.constant 0.000000e+00 : f32
      %broadcast_in_dim3A_79 = vector.broadcast %broadcast_in_dim3A_78 : f32 to vector<16xf32>
      %swap3A_80 = arith.index_cast %add3A_30 : i32 to index
      %swap3A_81 = arith.constant 112 : index
      %swap3A_82 = tpu.vector_load %arg9[%swap3A_80, %swap3A_81] {strides = array<i32>} : memref<16x128xf32, #tpu.memory_space<vmem>>, vector<1x16xf32>,
      %swap3A_83 = vector.shape_cast %swap3A_82 : vector<1x16xf32> to vector<16xf32>
      %swap3A_84 = vector.shape_cast %broadcast_in_dim3A_79 : vector<16xf32> to vector<1x16xf32>
      tpu.vector_store %arg9[%swap3A_80, %swap3A_81], %swap3A_84 {strides = array<i32>} : memref<16x128xf32, #tpu.memory_space<vmem>>, vector<1x16xf32>,
    }
    %scan3A_4 = arith.constant 16 : i32
    %mul3A_5 = arith.constant 16 : i32
    %mul3A_6 = arith.muli %arg1, %mul3A_5 : i32
    "tpu.region"() ({
      %run_scoped3A = tpu.sem_alloc : memref<!tpu.dma_semaphore, #tpu.memory_space<semaphore_mem>>
      %dma_start3A = arith.constant 0 : i32
      %dma_start3A_26 = tpu.memref_slice %arg10[%mul3A_6, %dma_start3A] : memref<256x128xf32, #tpu.memory_space<vmem_shared>> -> memref<16x128xf32, #tpu.memory_space<vmem_shared>>
      %dma_start3A_27 = arith.constant 0 : i32
      %dma_start3A_28 = tpu.memref_slice %arg10[%mul3A_6, %dma_start3A_27] : memref<256x128xf32, #tpu.memory_space<vmem_shared>> -> memref<16x128xf32, #tpu.memory_space<vmem_shared>>
      tpu.enqueue_dma source(%arg9 : memref<16x128xf32, #tpu.memory_space<vmem>>) target(%dma_start3A_28 : memref<16x128xf32, #tpu.memory_space<vmem_shared>>) target_semaphore(%run_scoped3A : memref<!tpu.dma_semaphore, #tpu.memory_space<semaphore_mem>>)
      %dma_wait3A = arith.constant 0 : i32
      %dma_wait3A_29 = tpu.memref_slice %arg10[%mul3A_6, %dma_wait3A] : memref<256x128xf32, #tpu.memory_space<vmem_shared>> -> memref<16x128xf32, #tpu.memory_space<vmem_shared>>
      %dma_wait3A_30 = arith.constant 0 : i32
      %dma_wait3A_31 = tpu.memref_slice %arg10[%mul3A_6, %dma_wait3A_30] : memref<256x128xf32, #tpu.memory_space<vmem_shared>> -> memref<16x128xf32, #tpu.memory_space<vmem_shared>>
      tpu.wait_dma2 semaphore(%run_scoped3A : memref<!tpu.dma_semaphore, #tpu.memory_space<semaphore_mem>>) src(%arg9 : memref<16x128xf32, #tpu.memory_space<vmem>>) dst(%dma_wait3A_31 : memref<16x128xf32, #tpu.memory_space<vmem_shared>>)
      tpu.yield
    }) : () -> ()
    %barrier3A = arith.constant 0 : index
    tpu.barrier barrier_id(%barrier3A)
    %add3A_7 = arith.constant 0 : i32
    %add3A_8 = arith.addi %add3A, %add3A_7 : i32
    %lt3A = arith.constant 230 : i32
    %lt3A_9 = arith.cmpi slt, %add3A_8, %lt3A : i32
    %convert_element_type3A = arith.extui %lt3A_9 : i1 to i32
    %cond3A = arith.constant 0 : i32
    %cond3A_10 = arith.cmpi ne, %convert_element_type3A, %cond3A : i32
    scf.if %cond3A_10 {
      %mul3A_26 = arith.constant 256 : i32
      %mul3A_27 = arith.muli %add3A_8, %mul3A_26 : i32
      %add3A_28 = arith.constant 40960 : i32
      %add3A_29 = arith.addi %add3A_28, %mul3A_27 : i32
      %multiple_of3A = tpu.assume_multiple %add3A_29, 8 : i32
      %add3A_30 = arith.constant 128 : i32
      %add3A_31 = arith.addi %multiple_of3A, %add3A_30 : i32
      %dma_start3A = arith.constant 0 : i32
      %dma_start3A_32 = tpu.memref_slice %arg2[%multiple_of3A, %dma_start3A] : memref<100000x128xf32, #tpu.memory_space<hbm>> -> memref<256x128xf32, #tpu.memory_space<hbm>>
      %dma_start3A_33 = arith.constant 0 : i32
      %dma_start3A_34 = tpu.memref_slice %arg2[%multiple_of3A, %dma_start3A_33] : memref<100000x128xf32, #tpu.memory_space<hbm>> -> memref<256x128xf32, #tpu.memory_space<hbm>>
      tpu.enqueue_dma source(%dma_start3A_34 : memref<256x128xf32, #tpu.memory_space<hbm>>) target(%arg5 : memref<256x128xf32, #tpu.memory_space<vmem>>) target_semaphore(%arg11 : memref<!tpu.dma_semaphore, #tpu.memory_space<semaphore_mem>>)
      %dma_start3A_35 = arith.constant 0 : i32
      %dma_start3A_36 = arith.constant 0 : i32
      %dma_start3A_37 = tpu.memref_slice %arg7[%dma_start3A_35, %dma_start3A_36] : memref<2x128xi32, #tpu.memory_space<vmem>> -> memref<1x128xi32, #tpu.memory_space<vmem>>
      %dma_start3A_38 = tpu.memref_squeeze %dma_start3A_37 : memref<1x128xi32, #tpu.memory_space<vmem>> -> memref<128xi32, #tpu.memory_space<vmem>>
      %dma_start3A_39 = tpu.memref_slice %arg3[%multiple_of3A] : memref<100000xi32, #tpu.memory_space<hbm>> -> memref<128xi32, #tpu.memory_space<hbm>>
      %dma_start3A_40 = arith.constant 0 : i32
      %dma_start3A_41 = tpu.memref_slice %arg7[%dma_start3A_35, %dma_start3A_40] : memref<2x128xi32, #tpu.memory_space<vmem>> -> memref<1x128xi32, #tpu.memory_space<vmem>>
      %dma_start3A_42 = tpu.memref_squeeze %dma_start3A_41 : memref<1x128xi32, #tpu.memory_space<vmem>> -> memref<128xi32, #tpu.memory_space<vmem>>
      %dma_start3A_43 = tpu.memref_slice %arg3[%multiple_of3A] : memref<100000xi32, #tpu.memory_space<hbm>> -> memref<128xi32, #tpu.memory_space<hbm>>
      tpu.enqueue_dma source(%dma_start3A_43 : memref<128xi32, #tpu.memory_space<hbm>>) target(%dma_start3A_42 : memref<128xi32, #tpu.memory_space<vmem>>) target_semaphore(%arg11 : memref<!tpu.dma_semaphore, #tpu.memory_space<semaphore_mem>>)
      %dma_start3A_44 = arith.constant 1 : i32
      %dma_start3A_45 = arith.constant 0 : i32
      %dma_start3A_46 = tpu.memref_slice %arg7[%dma_start3A_44, %dma_start3A_45] : memref<2x128xi32, #tpu.memory_space<vmem>> -> memref<1x128xi32, #tpu.memory_space<vmem>>
      %dma_start3A_47 = tpu.memref_squeeze %dma_start3A_46 : memref<1x128xi32, #tpu.memory_space<vmem>> -> memref<128xi32, #tpu.memory_space<vmem>>
      %dma_start3A_48 = tpu.memref_slice %arg3[%add3A_31] : memref<100000xi32, #tpu.memory_space<hbm>> -> memref<128xi32, #tpu.memory_space<hbm>>
      %dma_start3A_49 = arith.constant 0 : i32
      %dma_start3A_50 = tpu.memref_slice %arg7[%dma_start3A_44, %dma_start3A_49] : memref<2x128xi32, #tpu.memory_space<vmem>> -> memref<1x128xi32, #tpu.memory_space<vmem>>
      %dma_start3A_51 = tpu.memref_squeeze %dma_start3A_50 : memref<1x128xi32, #tpu.memory_space<vmem>> -> memref<128xi32, #tpu.memory_space<vmem>>
      %dma_start3A_52 = tpu.memref_slice %arg3[%add3A_31] : memref<100000xi32, #tpu.memory_space<hbm>> -> memref<128xi32, #tpu.memory_space<hbm>>
      tpu.enqueue_dma source(%dma_start3A_52 : memref<128xi32, #tpu.memory_space<hbm>>) target(%dma_start3A_51 : memref<128xi32, #tpu.memory_space<vmem>>) target_semaphore(%arg11 : memref<!tpu.dma_semaphore, #tpu.memory_space<semaphore_mem>>)
    } else {
    }
    %add3A_11 = arith.constant 32 : i32
    %add3A_12 = arith.addi %add3A, %add3A_11 : i32
    %lt3A_13 = arith.constant 230 : i32
    %lt3A_14 = arith.cmpi slt, %add3A_12, %lt3A_13 : i32
    %convert_element_type3A_15 = arith.extui %lt3A_14 : i1 to i32
    %cond3A_16 = arith.constant 0 : i32
    %cond3A_17 = arith.cmpi ne, %convert_element_type3A_15, %cond3A_16 : i32
    scf.if %cond3A_17 {
      %mul3A_26 = arith.constant 256 : i32
      %mul3A_27 = arith.muli %add3A_12, %mul3A_26 : i32
      %add3A_28 = arith.constant 40960 : i32
      %add3A_29 = arith.addi %add3A_28, %mul3A_27 : i32
      %multiple_of3A = tpu.assume_multiple %add3A_29, 8 : i32
      %add3A_30 = arith.constant 128 : i32
      %add3A_31 = arith.addi %multiple_of3A, %add3A_30 : i32
      %dma_start3A = arith.constant 0 : i32
      %dma_start3A_32 = tpu.memref_slice %arg2[%multiple_of3A, %dma_start3A] : memref<100000x128xf32, #tpu.memory_space<hbm>> -> memref<256x128xf32, #tpu.memory_space<hbm>>
      %dma_start3A_33 = arith.constant 0 : i32
      %dma_start3A_34 = tpu.memref_slice %arg2[%multiple_of3A, %dma_start3A_33] : memref<100000x128xf32, #tpu.memory_space<hbm>> -> memref<256x128xf32, #tpu.memory_space<hbm>>
      tpu.enqueue_dma source(%dma_start3A_34 : memref<256x128xf32, #tpu.memory_space<hbm>>) target(%arg6 : memref<256x128xf32, #tpu.memory_space<vmem>>) target_semaphore(%arg12 : memref<!tpu.dma_semaphore, #tpu.memory_space<semaphore_mem>>)
      %dma_start3A_35 = arith.constant 0 : i32
      %dma_start3A_36 = arith.constant 0 : i32
      %dma_start3A_37 = tpu.memref_slice %arg8[%dma_start3A_35, %dma_start3A_36] : memref<2x128xi32, #tpu.memory_space<vmem>> -> memref<1x128xi32, #tpu.memory_space<vmem>>
      %dma_start3A_38 = tpu.memref_squeeze %dma_start3A_37 : memref<1x128xi32, #tpu.memory_space<vmem>> -> memref<128xi32, #tpu.memory_space<vmem>>
      %dma_start3A_39 = tpu.memref_slice %arg3[%multiple_of3A] : memref<100000xi32, #tpu.memory_space<hbm>> -> memref<128xi32, #tpu.memory_space<hbm>>
      %dma_start3A_40 = arith.constant 0 : i32
      %dma_start3A_41 = tpu.memref_slice %arg8[%dma_start3A_35, %dma_start3A_40] : memref<2x128xi32, #tpu.memory_space<vmem>> -> memref<1x128xi32, #tpu.memory_space<vmem>>
      %dma_start3A_42 = tpu.memref_squeeze %dma_start3A_41 : memref<1x128xi32, #tpu.memory_space<vmem>> -> memref<128xi32, #tpu.memory_space<vmem>>
      %dma_start3A_43 = tpu.memref_slice %arg3[%multiple_of3A] : memref<100000xi32, #tpu.memory_space<hbm>> -> memref<128xi32, #tpu.memory_space<hbm>>
      tpu.enqueue_dma source(%dma_start3A_43 : memref<128xi32, #tpu.memory_space<hbm>>) target(%dma_start3A_42 : memref<128xi32, #tpu.memory_space<vmem>>) target_semaphore(%arg12 : memref<!tpu.dma_semaphore, #tpu.memory_space<semaphore_mem>>)
      %dma_start3A_44 = arith.constant 1 : i32
      %dma_start3A_45 = arith.constant 0 : i32
      %dma_start3A_46 = tpu.memref_slice %arg8[%dma_start3A_44, %dma_start3A_45] : memref<2x128xi32, #tpu.memory_space<vmem>> -> memref<1x128xi32, #tpu.memory_space<vmem>>
      %dma_start3A_47 = tpu.memref_squeeze %dma_start3A_46 : memref<1x128xi32, #tpu.memory_space<vmem>> -> memref<128xi32, #tpu.memory_space<vmem>>
      %dma_start3A_48 = tpu.memref_slice %arg3[%add3A_31] : memref<100000xi32, #tpu.memory_space<hbm>> -> memref<128xi32, #tpu.memory_space<hbm>>
      %dma_start3A_49 = arith.constant 0 : i32
      %dma_start3A_50 = tpu.memref_slice %arg8[%dma_start3A_44, %dma_start3A_49] : memref<2x128xi32, #tpu.memory_space<vmem>> -> memref<1x128xi32, #tpu.memory_space<vmem>>
      %dma_start3A_51 = tpu.memref_squeeze %dma_start3A_50 : memref<1x128xi32, #tpu.memory_space<vmem>> -> memref<128xi32, #tpu.memory_space<vmem>>
      %dma_start3A_52 = tpu.memref_slice %arg3[%add3A_31] : memref<100000xi32, #tpu.memory_space<hbm>> -> memref<128xi32, #tpu.memory_space<hbm>>
      tpu.enqueue_dma source(%dma_start3A_52 : memref<128xi32, #tpu.memory_space<hbm>>) target(%dma_start3A_51 : memref<128xi32, #tpu.memory_space<vmem>>) target_semaphore(%arg12 : memref<!tpu.dma_semaphore, #tpu.memory_space<semaphore_mem>>)
    } else {
    }
    %scan3A_18 = arith.constant 0 : i32
    %scan3A_19 = arith.constant 4 : i32
    %scan3A_20 = arith.addi %scan3A_18, %scan3A_19 : i32
    %scan3A_21 = arith.constant 1 : i32
    scf.for %scan3A_26 = %scan3A_18 to %scan3A_20 step %scan3A_21  : i32 {
      %mul3A_27 = arith.constant 2 : i32
      %mul3A_28 = arith.muli %scan3A_26, %mul3A_27 : i32
      %add3A_29 = arith.constant 0 : i32
      %add3A_30 = arith.addi %add3A_29, %mul3A_28 : i32
      %add3A_31 = arith.constant 0 : i32
      %add3A_32 = arith.addi %add3A_30, %add3A_31 : i32
      %mul3A_33 = arith.constant 32 : i32
      %mul3A_34 = arith.muli %mul3A_33, %add3A_32 : i32
      %add3A_35 = arith.addi %add3A, %mul3A_34 : i32
      %lt3A_36 = arith.constant 230 : i32
      %lt3A_37 = arith.cmpi slt, %add3A_35, %lt3A_36 : i32
      %convert_element_type3A_38 = arith.extui %lt3A_37 : i1 to i32
      %cond3A_39 = arith.constant 0 : i32
      %cond3A_40 = arith.cmpi ne, %convert_element_type3A_38, %cond3A_39 : i32
      scf.if %cond3A_40 {
        %mul3A_75 = arith.constant 256 : i32
        %mul3A_76 = arith.muli %add3A_35, %mul3A_75 : i32
        %add3A_77 = arith.constant 40960 : i32
        %add3A_78 = arith.addi %add3A_77, %mul3A_76 : i32
        %multiple_of3A = tpu.assume_multiple %add3A_78, 8 : i32
        %add3A_79 = arith.constant 128 : i32
        %add3A_80 = arith.addi %multiple_of3A, %add3A_79 : i32
        %dma_wait3A = arith.constant 0 : i32
        %dma_wait3A_81 = tpu.memref_slice %arg2[%multiple_of3A, %dma_wait3A] : memref<100000x128xf32, #tpu.memory_space<hbm>> -> memref<256x128xf32, #tpu.memory_space<hbm>>
        %dma_wait3A_82 = arith.constant 0 : i32
        %dma_wait3A_83 = tpu.memref_slice %arg2[%multiple_of3A, %dma_wait3A_82] : memref<100000x128xf32, #tpu.memory_space<hbm>> -> memref<256x128xf32, #tpu.memory_space<hbm>>
        tpu.wait_dma2 semaphore(%arg11 : memref<!tpu.dma_semaphore, #tpu.memory_space<semaphore_mem>>) src(%dma_wait3A_83 : memref<256x128xf32, #tpu.memory_space<hbm>>) dst(%arg5 : memref<256x128xf32, #tpu.memory_space<vmem>>)
        %dma_wait3A_84 = arith.constant 0 : i32
        %dma_wait3A_85 = arith.constant 0 : i32
        %dma_wait3A_86 = tpu.memref_slice %arg7[%dma_wait3A_84, %dma_wait3A_85] : memref<2x128xi32, #tpu.memory_space<vmem>> -> memref<1x128xi32, #tpu.memory_space<vmem>>
        %dma_wait3A_87 = tpu.memref_squeeze %dma_wait3A_86 : memref<1x128xi32, #tpu.memory_space<vmem>> -> memref<128xi32, #tpu.memory_space<vmem>>
        %dma_wait3A_88 = tpu.memref_slice %arg3[%multiple_of3A] : memref<100000xi32, #tpu.memory_space<hbm>> -> memref<128xi32, #tpu.memory_space<hbm>>
        %dma_wait3A_89 = arith.constant 0 : i32
        %dma_wait3A_90 = tpu.memref_slice %arg7[%dma_wait3A_84, %dma_wait3A_89] : memref<2x128xi32, #tpu.memory_space<vmem>> -> memref<1x128xi32, #tpu.memory_space<vmem>>
        %dma_wait3A_91 = tpu.memref_squeeze %dma_wait3A_90 : memref<1x128xi32, #tpu.memory_space<vmem>> -> memref<128xi32, #tpu.memory_space<vmem>>
        %dma_wait3A_92 = tpu.memref_slice %arg3[%multiple_of3A] : memref<100000xi32, #tpu.memory_space<hbm>> -> memref<128xi32, #tpu.memory_space<hbm>>
        tpu.wait_dma2 semaphore(%arg11 : memref<!tpu.dma_semaphore, #tpu.memory_space<semaphore_mem>>) src(%dma_wait3A_92 : memref<128xi32, #tpu.memory_space<hbm>>) dst(%dma_wait3A_91 : memref<128xi32, #tpu.memory_space<vmem>>)
        %dma_wait3A_93 = arith.constant 1 : i32
        %dma_wait3A_94 = arith.constant 0 : i32
        %dma_wait3A_95 = tpu.memref_slice %arg7[%dma_wait3A_93, %dma_wait3A_94] : memref<2x128xi32, #tpu.memory_space<vmem>> -> memref<1x128xi32, #tpu.memory_space<vmem>>
        %dma_wait3A_96 = tpu.memref_squeeze %dma_wait3A_95 : memref<1x128xi32, #tpu.memory_space<vmem>> -> memref<128xi32, #tpu.memory_space<vmem>>
        %dma_wait3A_97 = tpu.memref_slice %arg3[%add3A_80] : memref<100000xi32, #tpu.memory_space<hbm>> -> memref<128xi32, #tpu.memory_space<hbm>>
        %dma_wait3A_98 = arith.constant 0 : i32
        %dma_wait3A_99 = tpu.memref_slice %arg7[%dma_wait3A_93, %dma_wait3A_98] : memref<2x128xi32, #tpu.memory_space<vmem>> -> memref<1x128xi32, #tpu.memory_space<vmem>>
        %dma_wait3A_100 = tpu.memref_squeeze %dma_wait3A_99 : memref<1x128xi32, #tpu.memory_space<vmem>> -> memref<128xi32, #tpu.memory_space<vmem>>
        %dma_wait3A_101 = tpu.memref_slice %arg3[%add3A_80] : memref<100000xi32, #tpu.memory_space<hbm>> -> memref<128xi32, #tpu.memory_space<hbm>>
        tpu.wait_dma2 semaphore(%arg11 : memref<!tpu.dma_semaphore, #tpu.memory_space<semaphore_mem>>) src(%dma_wait3A_101 : memref<128xi32, #tpu.memory_space<hbm>>) dst(%dma_wait3A_100 : memref<128xi32, #tpu.memory_space<vmem>>)
        %run_scoped3A = arith.constant 0 : i32
        "tpu.region"() ({
          %run_scoped3A_103 = tpu.sem_alloc : memref<!tpu.dma_semaphore, #tpu.memory_space<semaphore_mem>>
          %dma_start3A = arith.constant 0 : i32
          %dma_start3A_104 = arith.constant 0 : i32
          %dma_start3A_105 = tpu.memref_slice %arg5[%dma_start3A, %dma_start3A_104] : memref<256x128xf32, #tpu.memory_space<vmem>> -> memref<128x128xf32, #tpu.memory_space<vmem>>
          %dma_start3A_106 = arith.constant 0 : i32
          %dma_start3A_107 = tpu.memref_slice %arg7[%run_scoped3A, %dma_start3A_106] : memref<2x128xi32, #tpu.memory_space<vmem>> -> memref<1x128xi32, #tpu.memory_space<vmem>>
          %dma_start3A_108 = tpu.memref_squeeze %dma_start3A_107 : memref<1x128xi32, #tpu.memory_space<vmem>> -> memref<128xi32, #tpu.memory_space<vmem>>
          %dma_start3A_109 = arith.constant 0 : i32
          %dma_start3A_110 = arith.constant 0 : i32
          %dma_start3A_111 = tpu.memref_slice %arg10[%dma_start3A_109, %dma_start3A_110] : memref<256x128xf32, #tpu.memory_space<vmem_shared>> -> memref<256x128xf32, #tpu.memory_space<vmem_shared>>
          tpu.enqueue_indirect_dma source(%dma_start3A_105 : memref<128x128xf32, #tpu.memory_space<vmem>>) target(%dma_start3A_111 : memref<256x128xf32, #tpu.memory_space<vmem_shared>>) offsets(%dma_start3A_108 : memref<128xi32, #tpu.memory_space<vmem>>) semaphore(%run_scoped3A_103 : memref<!tpu.dma_semaphore, #tpu.memory_space<semaphore_mem>>) {add = true}
          %dma_wait3A_112 = arith.constant 0 : i32
          %dma_wait3A_113 = arith.constant 0 : i32
          %dma_wait3A_114 = tpu.memref_slice %arg5[%dma_wait3A_112, %dma_wait3A_113] : memref<256x128xf32, #tpu.memory_space<vmem>> -> memref<128x128xf32, #tpu.memory_space<vmem>>
          %dma_wait3A_115 = arith.constant 0 : i32
          %dma_wait3A_116 = tpu.memref_slice %arg7[%run_scoped3A, %dma_wait3A_115] : memref<2x128xi32, #tpu.memory_space<vmem>> -> memref<1x128xi32, #tpu.memory_space<vmem>>
          %dma_wait3A_117 = tpu.memref_squeeze %dma_wait3A_116 : memref<1x128xi32, #tpu.memory_space<vmem>> -> memref<128xi32, #tpu.memory_space<vmem>>
          %dma_wait3A_118 = arith.constant 0 : i32
          %dma_wait3A_119 = arith.constant 0 : i32
          %dma_wait3A_120 = tpu.memref_slice %arg10[%dma_wait3A_118, %dma_wait3A_119] : memref<256x128xf32, #tpu.memory_space<vmem_shared>> -> memref<256x128xf32, #tpu.memory_space<vmem_shared>>
          tpu.wait_indirect_dma semaphore(%run_scoped3A_103 : memref<!tpu.dma_semaphore, #tpu.memory_space<semaphore_mem>>) src(%dma_wait3A_114 : memref<128x128xf32, #tpu.memory_space<vmem>>) dst(%dma_wait3A_120 : memref<256x128xf32, #tpu.memory_space<vmem_shared>>)
          tpu.yield
        }) : () -> ()
        %run_scoped3A_102 = arith.constant 1 : i32
        "tpu.region"() ({
          %run_scoped3A_103 = tpu.sem_alloc : memref<!tpu.dma_semaphore, #tpu.memory_space<semaphore_mem>>
          %dma_start3A = arith.constant 128 : i32
          %dma_start3A_104 = arith.constant 0 : i32
          %dma_start3A_105 = tpu.memref_slice %arg5[%dma_start3A, %dma_start3A_104] : memref<256x128xf32, #tpu.memory_space<vmem>> -> memref<128x128xf32, #tpu.memory_space<vmem>>
          %dma_start3A_106 = arith.constant 0 : i32
          %dma_start3A_107 = tpu.memref_slice %arg7[%run_scoped3A_102, %dma_start3A_106] : memref<2x128xi32, #tpu.memory_space<vmem>> -> memref<1x128xi32, #tpu.memory_space<vmem>>
          %dma_start3A_108 = tpu.memref_squeeze %dma_start3A_107 : memref<1x128xi32, #tpu.memory_space<vmem>> -> memref<128xi32, #tpu.memory_space<vmem>>
          %dma_start3A_109 = arith.constant 0 : i32
          %dma_start3A_110 = arith.constant 0 : i32
          %dma_start3A_111 = tpu.memref_slice %arg10[%dma_start3A_109, %dma_start3A_110] : memref<256x128xf32, #tpu.memory_space<vmem_shared>> -> memref<256x128xf32, #tpu.memory_space<vmem_shared>>
          tpu.enqueue_indirect_dma source(%dma_start3A_105 : memref<128x128xf32, #tpu.memory_space<vmem>>) target(%dma_start3A_111 : memref<256x128xf32, #tpu.memory_space<vmem_shared>>) offsets(%dma_start3A_108 : memref<128xi32, #tpu.memory_space<vmem>>) semaphore(%run_scoped3A_103 : memref<!tpu.dma_semaphore, #tpu.memory_space<semaphore_mem>>) {add = true}
          %dma_wait3A_112 = arith.constant 128 : i32
          %dma_wait3A_113 = arith.constant 0 : i32
          %dma_wait3A_114 = tpu.memref_slice %arg5[%dma_wait3A_112, %dma_wait3A_113] : memref<256x128xf32, #tpu.memory_space<vmem>> -> memref<128x128xf32, #tpu.memory_space<vmem>>
          %dma_wait3A_115 = arith.constant 0 : i32
          %dma_wait3A_116 = tpu.memref_slice %arg7[%run_scoped3A_102, %dma_wait3A_115] : memref<2x128xi32, #tpu.memory_space<vmem>> -> memref<1x128xi32, #tpu.memory_space<vmem>>
          %dma_wait3A_117 = tpu.memref_squeeze %dma_wait3A_116 : memref<1x128xi32, #tpu.memory_space<vmem>> -> memref<128xi32, #tpu.memory_space<vmem>>
          %dma_wait3A_118 = arith.constant 0 : i32
          %dma_wait3A_119 = arith.constant 0 : i32
          %dma_wait3A_120 = tpu.memref_slice %arg10[%dma_wait3A_118, %dma_wait3A_119] : memref<256x128xf32, #tpu.memory_space<vmem_shared>> -> memref<256x128xf32, #tpu.memory_space<vmem_shared>>
          tpu.wait_indirect_dma semaphore(%run_scoped3A_103 : memref<!tpu.dma_semaphore, #tpu.memory_space<semaphore_mem>>) src(%dma_wait3A_114 : memref<128x128xf32, #tpu.memory_space<vmem>>) dst(%dma_wait3A_120 : memref<256x128xf32, #tpu.memory_space<vmem_shared>>)
          tpu.yield
        }) : () -> ()
      } else {
      }
      %add3A_41 = arith.constant 0 : i32
      %add3A_42 = arith.addi %add3A_30, %add3A_41 : i32
      %add3A_43 = arith.constant 2 : i32
      %add3A_44 = arith.addi %add3A_42, %add3A_43 : i32
      %mul3A_45 = arith.constant 32 : i32
      %mul3A_46 = arith.muli %mul3A_45, %add3A_44 : i32
      %add3A_47 = arith.addi %add3A, %mul3A_46 : i32
      %lt3A_48 = arith.constant 230 : i32
      %lt3A_49 = arith.cmpi slt, %add3A_47, %lt3A_48 : i32
      %convert_element_type3A_50 = arith.extui %lt3A_49 : i1 to i32
      %cond3A_51 = arith.constant 0 : i32
      %cond3A_52 = arith.cmpi ne, %convert_element_type3A_50, %cond3A_51 : i32
      scf.if %cond3A_52 {
        %mul3A_75 = arith.constant 256 : i32
        %mul3A_76 = arith.muli %add3A_47, %mul3A_75 : i32
        %add3A_77 = arith.constant 40960 : i32
        %add3A_78 = arith.addi %add3A_77, %mul3A_76 : i32
        %multiple_of3A = tpu.assume_multiple %add3A_78, 8 : i32
        %add3A_79 = arith.constant 128 : i32
        %add3A_80 = arith.addi %multiple_of3A, %add3A_79 : i32
        %dma_start3A = arith.constant 0 : i32
        %dma_start3A_81 = tpu.memref_slice %arg2[%multiple_of3A, %dma_start3A] : memref<100000x128xf32, #tpu.memory_space<hbm>> -> memref<256x128xf32, #tpu.memory_space<hbm>>
        %dma_start3A_82 = arith.constant 0 : i32
        %dma_start3A_83 = tpu.memref_slice %arg2[%multiple_of3A, %dma_start3A_82] : memref<100000x128xf32, #tpu.memory_space<hbm>> -> memref<256x128xf32, #tpu.memory_space<hbm>>
        tpu.enqueue_dma source(%dma_start3A_83 : memref<256x128xf32, #tpu.memory_space<hbm>>) target(%arg5 : memref<256x128xf32, #tpu.memory_space<vmem>>) target_semaphore(%arg11 : memref<!tpu.dma_semaphore, #tpu.memory_space<semaphore_mem>>)
        %dma_start3A_84 = arith.constant 0 : i32
        %dma_start3A_85 = arith.constant 0 : i32
        %dma_start3A_86 = tpu.memref_slice %arg7[%dma_start3A_84, %dma_start3A_85] : memref<2x128xi32, #tpu.memory_space<vmem>> -> memref<1x128xi32, #tpu.memory_space<vmem>>
        %dma_start3A_87 = tpu.memref_squeeze %dma_start3A_86 : memref<1x128xi32, #tpu.memory_space<vmem>> -> memref<128xi32, #tpu.memory_space<vmem>>
        %dma_start3A_88 = tpu.memref_slice %arg3[%multiple_of3A] : memref<100000xi32, #tpu.memory_space<hbm>> -> memref<128xi32, #tpu.memory_space<hbm>>
        %dma_start3A_89 = arith.constant 0 : i32
        %dma_start3A_90 = tpu.memref_slice %arg7[%dma_start3A_84, %dma_start3A_89] : memref<2x128xi32, #tpu.memory_space<vmem>> -> memref<1x128xi32, #tpu.memory_space<vmem>>
        %dma_start3A_91 = tpu.memref_squeeze %dma_start3A_90 : memref<1x128xi32, #tpu.memory_space<vmem>> -> memref<128xi32, #tpu.memory_space<vmem>>
        %dma_start3A_92 = tpu.memref_slice %arg3[%multiple_of3A] : memref<100000xi32, #tpu.memory_space<hbm>> -> memref<128xi32, #tpu.memory_space<hbm>>
        tpu.enqueue_dma source(%dma_start3A_92 : memref<128xi32, #tpu.memory_space<hbm>>) target(%dma_start3A_91 : memref<128xi32, #tpu.memory_space<vmem>>) target_semaphore(%arg11 : memref<!tpu.dma_semaphore, #tpu.memory_space<semaphore_mem>>)
        %dma_start3A_93 = arith.constant 1 : i32
        %dma_start3A_94 = arith.constant 0 : i32
        %dma_start3A_95 = tpu.memref_slice %arg7[%dma_start3A_93, %dma_start3A_94] : memref<2x128xi32, #tpu.memory_space<vmem>> -> memref<1x128xi32, #tpu.memory_space<vmem>>
        %dma_start3A_96 = tpu.memref_squeeze %dma_start3A_95 : memref<1x128xi32, #tpu.memory_space<vmem>> -> memref<128xi32, #tpu.memory_space<vmem>>
        %dma_start3A_97 = tpu.memref_slice %arg3[%add3A_80] : memref<100000xi32, #tpu.memory_space<hbm>> -> memref<128xi32, #tpu.memory_space<hbm>>
        %dma_start3A_98 = arith.constant 0 : i32
        %dma_start3A_99 = tpu.memref_slice %arg7[%dma_start3A_93, %dma_start3A_98] : memref<2x128xi32, #tpu.memory_space<vmem>> -> memref<1x128xi32, #tpu.memory_space<vmem>>
        %dma_start3A_100 = tpu.memref_squeeze %dma_start3A_99 : memref<1x128xi32, #tpu.memory_space<vmem>> -> memref<128xi32, #tpu.memory_space<vmem>>
        %dma_start3A_101 = tpu.memref_slice %arg3[%add3A_80] : memref<100000xi32, #tpu.memory_space<hbm>> -> memref<128xi32, #tpu.memory_space<hbm>>
        tpu.enqueue_dma source(%dma_start3A_101 : memref<128xi32, #tpu.memory_space<hbm>>) target(%dma_start3A_100 : memref<128xi32, #tpu.memory_space<vmem>>) target_semaphore(%arg11 : memref<!tpu.dma_semaphore, #tpu.memory_space<semaphore_mem>>)
      } else {
      }
      %add3A_53 = arith.constant 1 : i32
      %add3A_54 = arith.addi %add3A_30, %add3A_53 : i32
      %mul3A_55 = arith.constant 32 : i32
      %mul3A_56 = arith.muli %mul3A_55, %add3A_54 : i32
      %add3A_57 = arith.addi %add3A, %mul3A_56 : i32
      %lt3A_58 = arith.constant 230 : i32
      %lt3A_59 = arith.cmpi slt, %add3A_57, %lt3A_58 : i32
      %convert_element_type3A_60 = arith.extui %lt3A_59 : i1 to i32
      %cond3A_61 = arith.constant 0 : i32
      %cond3A_62 = arith.cmpi ne, %convert_element_type3A_60, %cond3A_61 : i32
      scf.if %cond3A_62 {
        %mul3A_75 = arith.constant 256 : i32
        %mul3A_76 = arith.muli %add3A_57, %mul3A_75 : i32
        %add3A_77 = arith.constant 40960 : i32
        %add3A_78 = arith.addi %add3A_77, %mul3A_76 : i32
        %multiple_of3A = tpu.assume_multiple %add3A_78, 8 : i32
        %add3A_79 = arith.constant 128 : i32
        %add3A_80 = arith.addi %multiple_of3A, %add3A_79 : i32
        %dma_wait3A = arith.constant 0 : i32
        %dma_wait3A_81 = tpu.memref_slice %arg2[%multiple_of3A, %dma_wait3A] : memref<100000x128xf32, #tpu.memory_space<hbm>> -> memref<256x128xf32, #tpu.memory_space<hbm>>
        %dma_wait3A_82 = arith.constant 0 : i32
        %dma_wait3A_83 = tpu.memref_slice %arg2[%multiple_of3A, %dma_wait3A_82] : memref<100000x128xf32, #tpu.memory_space<hbm>> -> memref<256x128xf32, #tpu.memory_space<hbm>>
        tpu.wait_dma2 semaphore(%arg12 : memref<!tpu.dma_semaphore, #tpu.memory_space<semaphore_mem>>) src(%dma_wait3A_83 : memref<256x128xf32, #tpu.memory_space<hbm>>) dst(%arg6 : memref<256x128xf32, #tpu.memory_space<vmem>>)
        %dma_wait3A_84 = arith.constant 0 : i32
        %dma_wait3A_85 = arith.constant 0 : i32
        %dma_wait3A_86 = tpu.memref_slice %arg8[%dma_wait3A_84, %dma_wait3A_85] : memref<2x128xi32, #tpu.memory_space<vmem>> -> memref<1x128xi32, #tpu.memory_space<vmem>>
        %dma_wait3A_87 = tpu.memref_squeeze %dma_wait3A_86 : memref<1x128xi32, #tpu.memory_space<vmem>> -> memref<128xi32, #tpu.memory_space<vmem>>
        %dma_wait3A_88 = tpu.memref_slice %arg3[%multiple_of3A] : memref<100000xi32, #tpu.memory_space<hbm>> -> memref<128xi32, #tpu.memory_space<hbm>>
        %dma_wait3A_89 = arith.constant 0 : i32
        %dma_wait3A_90 = tpu.memref_slice %arg8[%dma_wait3A_84, %dma_wait3A_89] : memref<2x128xi32, #tpu.memory_space<vmem>> -> memref<1x128xi32, #tpu.memory_space<vmem>>
        %dma_wait3A_91 = tpu.memref_squeeze %dma_wait3A_90 : memref<1x128xi32, #tpu.memory_space<vmem>> -> memref<128xi32, #tpu.memory_space<vmem>>
        %dma_wait3A_92 = tpu.memref_slice %arg3[%multiple_of3A] : memref<100000xi32, #tpu.memory_space<hbm>> -> memref<128xi32, #tpu.memory_space<hbm>>
        tpu.wait_dma2 semaphore(%arg12 : memref<!tpu.dma_semaphore, #tpu.memory_space<semaphore_mem>>) src(%dma_wait3A_92 : memref<128xi32, #tpu.memory_space<hbm>>) dst(%dma_wait3A_91 : memref<128xi32, #tpu.memory_space<vmem>>)
        %dma_wait3A_93 = arith.constant 1 : i32
        %dma_wait3A_94 = arith.constant 0 : i32
        %dma_wait3A_95 = tpu.memref_slice %arg8[%dma_wait3A_93, %dma_wait3A_94] : memref<2x128xi32, #tpu.memory_space<vmem>> -> memref<1x128xi32, #tpu.memory_space<vmem>>
        %dma_wait3A_96 = tpu.memref_squeeze %dma_wait3A_95 : memref<1x128xi32, #tpu.memory_space<vmem>> -> memref<128xi32, #tpu.memory_space<vmem>>
        %dma_wait3A_97 = tpu.memref_slice %arg3[%add3A_80] : memref<100000xi32, #tpu.memory_space<hbm>> -> memref<128xi32, #tpu.memory_space<hbm>>
        %dma_wait3A_98 = arith.constant 0 : i32
        %dma_wait3A_99 = tpu.memref_slice %arg8[%dma_wait3A_93, %dma_wait3A_98] : memref<2x128xi32, #tpu.memory_space<vmem>> -> memref<1x128xi32, #tpu.memory_space<vmem>>
        %dma_wait3A_100 = tpu.memref_squeeze %dma_wait3A_99 : memref<1x128xi32, #tpu.memory_space<vmem>> -> memref<128xi32, #tpu.memory_space<vmem>>
        %dma_wait3A_101 = tpu.memref_slice %arg3[%add3A_80] : memref<100000xi32, #tpu.memory_space<hbm>> -> memref<128xi32, #tpu.memory_space<hbm>>
        tpu.wait_dma2 semaphore(%arg12 : memref<!tpu.dma_semaphore, #tpu.memory_space<semaphore_mem>>) src(%dma_wait3A_101 : memref<128xi32, #tpu.memory_space<hbm>>) dst(%dma_wait3A_100 : memref<128xi32, #tpu.memory_space<vmem>>)
        %run_scoped3A = arith.constant 0 : i32
        "tpu.region"() ({
          %run_scoped3A_103 = tpu.sem_alloc : memref<!tpu.dma_semaphore, #tpu.memory_space<semaphore_mem>>
          %dma_start3A = arith.constant 0 : i32
          %dma_start3A_104 = arith.constant 0 : i32
          %dma_start3A_105 = tpu.memref_slice %arg6[%dma_start3A, %dma_start3A_104] : memref<256x128xf32, #tpu.memory_space<vmem>> -> memref<128x128xf32, #tpu.memory_space<vmem>>
          %dma_start3A_106 = arith.constant 0 : i32
          %dma_start3A_107 = tpu.memref_slice %arg8[%run_scoped3A, %dma_start3A_106] : memref<2x128xi32, #tpu.memory_space<vmem>> -> memref<1x128xi32, #tpu.memory_space<vmem>>
          %dma_start3A_108 = tpu.memref_squeeze %dma_start3A_107 : memref<1x128xi32, #tpu.memory_space<vmem>> -> memref<128xi32, #tpu.memory_space<vmem>>
          %dma_start3A_109 = arith.constant 0 : i32
          %dma_start3A_110 = arith.constant 0 : i32
          %dma_start3A_111 = tpu.memref_slice %arg10[%dma_start3A_109, %dma_start3A_110] : memref<256x128xf32, #tpu.memory_space<vmem_shared>> -> memref<256x128xf32, #tpu.memory_space<vmem_shared>>
          tpu.enqueue_indirect_dma source(%dma_start3A_105 : memref<128x128xf32, #tpu.memory_space<vmem>>) target(%dma_start3A_111 : memref<256x128xf32, #tpu.memory_space<vmem_shared>>) offsets(%dma_start3A_108 : memref<128xi32, #tpu.memory_space<vmem>>) semaphore(%run_scoped3A_103 : memref<!tpu.dma_semaphore, #tpu.memory_space<semaphore_mem>>) {add = true}
          %dma_wait3A_112 = arith.constant 0 : i32
          %dma_wait3A_113 = arith.constant 0 : i32
          %dma_wait3A_114 = tpu.memref_slice %arg6[%dma_wait3A_112, %dma_wait3A_113] : memref<256x128xf32, #tpu.memory_space<vmem>> -> memref<128x128xf32, #tpu.memory_space<vmem>>
          %dma_wait3A_115 = arith.constant 0 : i32
          %dma_wait3A_116 = tpu.memref_slice %arg8[%run_scoped3A, %dma_wait3A_115] : memref<2x128xi32, #tpu.memory_space<vmem>> -> memref<1x128xi32, #tpu.memory_space<vmem>>
          %dma_wait3A_117 = tpu.memref_squeeze %dma_wait3A_116 : memref<1x128xi32, #tpu.memory_space<vmem>> -> memref<128xi32, #tpu.memory_space<vmem>>
          %dma_wait3A_118 = arith.constant 0 : i32
          %dma_wait3A_119 = arith.constant 0 : i32
          %dma_wait3A_120 = tpu.memref_slice %arg10[%dma_wait3A_118, %dma_wait3A_119] : memref<256x128xf32, #tpu.memory_space<vmem_shared>> -> memref<256x128xf32, #tpu.memory_space<vmem_shared>>
          tpu.wait_indirect_dma semaphore(%run_scoped3A_103 : memref<!tpu.dma_semaphore, #tpu.memory_space<semaphore_mem>>) src(%dma_wait3A_114 : memref<128x128xf32, #tpu.memory_space<vmem>>) dst(%dma_wait3A_120 : memref<256x128xf32, #tpu.memory_space<vmem_shared>>)
          tpu.yield
        }) : () -> ()
        %run_scoped3A_102 = arith.constant 1 : i32
        "tpu.region"() ({
          %run_scoped3A_103 = tpu.sem_alloc : memref<!tpu.dma_semaphore, #tpu.memory_space<semaphore_mem>>
          %dma_start3A = arith.constant 128 : i32
          %dma_start3A_104 = arith.constant 0 : i32
          %dma_start3A_105 = tpu.memref_slice %arg6[%dma_start3A, %dma_start3A_104] : memref<256x128xf32, #tpu.memory_space<vmem>> -> memref<128x128xf32, #tpu.memory_space<vmem>>
          %dma_start3A_106 = arith.constant 0 : i32
          %dma_start3A_107 = tpu.memref_slice %arg8[%run_scoped3A_102, %dma_start3A_106] : memref<2x128xi32, #tpu.memory_space<vmem>> -> memref<1x128xi32, #tpu.memory_space<vmem>>
          %dma_start3A_108 = tpu.memref_squeeze %dma_start3A_107 : memref<1x128xi32, #tpu.memory_space<vmem>> -> memref<128xi32, #tpu.memory_space<vmem>>
          %dma_start3A_109 = arith.constant 0 : i32
          %dma_start3A_110 = arith.constant 0 : i32
          %dma_start3A_111 = tpu.memref_slice %arg10[%dma_start3A_109, %dma_start3A_110] : memref<256x128xf32, #tpu.memory_space<vmem_shared>> -> memref<256x128xf32, #tpu.memory_space<vmem_shared>>
          tpu.enqueue_indirect_dma source(%dma_start3A_105 : memref<128x128xf32, #tpu.memory_space<vmem>>) target(%dma_start3A_111 : memref<256x128xf32, #tpu.memory_space<vmem_shared>>) offsets(%dma_start3A_108 : memref<128xi32, #tpu.memory_space<vmem>>) semaphore(%run_scoped3A_103 : memref<!tpu.dma_semaphore, #tpu.memory_space<semaphore_mem>>) {add = true}
          %dma_wait3A_112 = arith.constant 128 : i32
          %dma_wait3A_113 = arith.constant 0 : i32
          %dma_wait3A_114 = tpu.memref_slice %arg6[%dma_wait3A_112, %dma_wait3A_113] : memref<256x128xf32, #tpu.memory_space<vmem>> -> memref<128x128xf32, #tpu.memory_space<vmem>>
          %dma_wait3A_115 = arith.constant 0 : i32
          %dma_wait3A_116 = tpu.memref_slice %arg8[%run_scoped3A_102, %dma_wait3A_115] : memref<2x128xi32, #tpu.memory_space<vmem>> -> memref<1x128xi32, #tpu.memory_space<vmem>>
          %dma_wait3A_117 = tpu.memref_squeeze %dma_wait3A_116 : memref<1x128xi32, #tpu.memory_space<vmem>> -> memref<128xi32, #tpu.memory_space<vmem>>
          %dma_wait3A_118 = arith.constant 0 : i32
          %dma_wait3A_119 = arith.constant 0 : i32
          %dma_wait3A_120 = tpu.memref_slice %arg10[%dma_wait3A_118, %dma_wait3A_119] : memref<256x128xf32, #tpu.memory_space<vmem_shared>> -> memref<256x128xf32, #tpu.memory_space<vmem_shared>>
          tpu.wait_indirect_dma semaphore(%run_scoped3A_103 : memref<!tpu.dma_semaphore, #tpu.memory_space<semaphore_mem>>) src(%dma_wait3A_114 : memref<128x128xf32, #tpu.memory_space<vmem>>) dst(%dma_wait3A_120 : memref<256x128xf32, #tpu.memory_space<vmem_shared>>)
          tpu.yield
        }) : () -> ()
      } else {
      }
      %add3A_63 = arith.constant 1 : i32
      %add3A_64 = arith.addi %add3A_30, %add3A_63 : i32
      %add3A_65 = arith.constant 2 : i32
      %add3A_66 = arith.addi %add3A_64, %add3A_65 : i32
      %mul3A_67 = arith.constant 32 : i32
      %mul3A_68 = arith.muli %mul3A_67, %add3A_66 : i32
      %add3A_69 = arith.addi %add3A, %mul3A_68 : i32
      %lt3A_70 = arith.constant 230 : i32
      %lt3A_71 = arith.cmpi slt, %add3A_69, %lt3A_70 : i32
      %convert_element_type3A_72 = arith.extui %lt3A_71 : i1 to i32
      %cond3A_73 = arith.constant 0 : i32
      %cond3A_74 = arith.cmpi ne, %convert_element_type3A_72, %cond3A_73 : i32
      scf.if %cond3A_74 {
        %mul3A_75 = arith.constant 256 : i32
        %mul3A_76 = arith.muli %add3A_69, %mul3A_75 : i32
        %add3A_77 = arith.constant 40960 : i32
        %add3A_78 = arith.addi %add3A_77, %mul3A_76 : i32
        %multiple_of3A = tpu.assume_multiple %add3A_78, 8 : i32
        %add3A_79 = arith.constant 128 : i32
        %add3A_80 = arith.addi %multiple_of3A, %add3A_79 : i32
        %dma_start3A = arith.constant 0 : i32
        %dma_start3A_81 = tpu.memref_slice %arg2[%multiple_of3A, %dma_start3A] : memref<100000x128xf32, #tpu.memory_space<hbm>> -> memref<256x128xf32, #tpu.memory_space<hbm>>
        %dma_start3A_82 = arith.constant 0 : i32
        %dma_start3A_83 = tpu.memref_slice %arg2[%multiple_of3A, %dma_start3A_82] : memref<100000x128xf32, #tpu.memory_space<hbm>> -> memref<256x128xf32, #tpu.memory_space<hbm>>
        tpu.enqueue_dma source(%dma_start3A_83 : memref<256x128xf32, #tpu.memory_space<hbm>>) target(%arg6 : memref<256x128xf32, #tpu.memory_space<vmem>>) target_semaphore(%arg12 : memref<!tpu.dma_semaphore, #tpu.memory_space<semaphore_mem>>)
        %dma_start3A_84 = arith.constant 0 : i32
        %dma_start3A_85 = arith.constant 0 : i32
        %dma_start3A_86 = tpu.memref_slice %arg8[%dma_start3A_84, %dma_start3A_85] : memref<2x128xi32, #tpu.memory_space<vmem>> -> memref<1x128xi32, #tpu.memory_space<vmem>>
        %dma_start3A_87 = tpu.memref_squeeze %dma_start3A_86 : memref<1x128xi32, #tpu.memory_space<vmem>> -> memref<128xi32, #tpu.memory_space<vmem>>
        %dma_start3A_88 = tpu.memref_slice %arg3[%multiple_of3A] : memref<100000xi32, #tpu.memory_space<hbm>> -> memref<128xi32, #tpu.memory_space<hbm>>
        %dma_start3A_89 = arith.constant 0 : i32
        %dma_start3A_90 = tpu.memref_slice %arg8[%dma_start3A_84, %dma_start3A_89] : memref<2x128xi32, #tpu.memory_space<vmem>> -> memref<1x128xi32, #tpu.memory_space<vmem>>
        %dma_start3A_91 = tpu.memref_squeeze %dma_start3A_90 : memref<1x128xi32, #tpu.memory_space<vmem>> -> memref<128xi32, #tpu.memory_space<vmem>>
        %dma_start3A_92 = tpu.memref_slice %arg3[%multiple_of3A] : memref<100000xi32, #tpu.memory_space<hbm>> -> memref<128xi32, #tpu.memory_space<hbm>>
        tpu.enqueue_dma source(%dma_start3A_92 : memref<128xi32, #tpu.memory_space<hbm>>) target(%dma_start3A_91 : memref<128xi32, #tpu.memory_space<vmem>>) target_semaphore(%arg12 : memref<!tpu.dma_semaphore, #tpu.memory_space<semaphore_mem>>)
        %dma_start3A_93 = arith.constant 1 : i32
        %dma_start3A_94 = arith.constant 0 : i32
        %dma_start3A_95 = tpu.memref_slice %arg8[%dma_start3A_93, %dma_start3A_94] : memref<2x128xi32, #tpu.memory_space<vmem>> -> memref<1x128xi32, #tpu.memory_space<vmem>>
        %dma_start3A_96 = tpu.memref_squeeze %dma_start3A_95 : memref<1x128xi32, #tpu.memory_space<vmem>> -> memref<128xi32, #tpu.memory_space<vmem>>
        %dma_start3A_97 = tpu.memref_slice %arg3[%add3A_80] : memref<100000xi32, #tpu.memory_space<hbm>> -> memref<128xi32, #tpu.memory_space<hbm>>
        %dma_start3A_98 = arith.constant 0 : i32
        %dma_start3A_99 = tpu.memref_slice %arg8[%dma_start3A_93, %dma_start3A_98] : memref<2x128xi32, #tpu.memory_space<vmem>> -> memref<1x128xi32, #tpu.memory_space<vmem>>
        %dma_start3A_100 = tpu.memref_squeeze %dma_start3A_99 : memref<1x128xi32, #tpu.memory_space<vmem>> -> memref<128xi32, #tpu.memory_space<vmem>>
        %dma_start3A_101 = tpu.memref_slice %arg3[%add3A_80] : memref<100000xi32, #tpu.memory_space<hbm>> -> memref<128xi32, #tpu.memory_space<hbm>>
        tpu.enqueue_dma source(%dma_start3A_101 : memref<128xi32, #tpu.memory_space<hbm>>) target(%dma_start3A_100 : memref<128xi32, #tpu.memory_space<vmem>>) target_semaphore(%arg12 : memref<!tpu.dma_semaphore, #tpu.memory_space<semaphore_mem>>)
      } else {
      }
    }
    %scan3A_22 = arith.constant 4 : i32
    %barrier3A_23 = arith.constant 0 : index
    tpu.barrier barrier_id(%barrier3A_23)
    %mul3A_24 = arith.constant 16 : i32
    %mul3A_25 = arith.muli %arg1, %mul3A_24 : i32
    "tpu.region"() ({
      %run_scoped3A = tpu.sem_alloc : memref<!tpu.dma_semaphore, #tpu.memory_space<semaphore_mem>>
      %dma_start3A = arith.constant 0 : i32
      %dma_start3A_26 = tpu.memref_slice %arg4[%arg0, %mul3A_25, %dma_start3A] : memref<2x256x128xf32, #tpu.memory_space<hbm>> -> memref<1x16x128xf32, #tpu.memory_space<hbm>>
      %dma_start3A_27 = tpu.memref_squeeze %dma_start3A_26 : memref<1x16x128xf32, #tpu.memory_space<hbm>> -> memref<16x128xf32, #tpu.memory_space<hbm>>
      %dma_start3A_28 = arith.constant 0 : i32
      %dma_start3A_29 = tpu.memref_slice %arg10[%mul3A_25, %dma_start3A_28] : memref<256x128xf32, #tpu.memory_space<vmem_shared>> -> memref<16x128xf32, #tpu.memory_space<vmem_shared>>
      tpu.enqueue_dma source(%dma_start3A_29 : memref<16x128xf32, #tpu.memory_space<vmem_shared>>) target(%dma_start3A_27 : memref<16x128xf32, #tpu.memory_space<hbm>>) target_semaphore(%run_scoped3A : memref<!tpu.dma_semaphore, #tpu.memory_space<semaphore_mem>>)
      %dma_wait3A = arith.constant 0 : i32
      %dma_wait3A_30 = tpu.memref_slice %arg4[%arg0, %mul3A_25, %dma_wait3A] : memref<2x256x128xf32, #tpu.memory_space<hbm>> -> memref<1x16x128xf32, #tpu.memory_space<hbm>>
      %dma_wait3A_31 = tpu.memref_squeeze %dma_wait3A_30 : memref<1x16x128xf32, #tpu.memory_space<hbm>> -> memref<16x128xf32, #tpu.memory_space<hbm>>
      %dma_wait3A_32 = arith.constant 0 : i32
      %dma_wait3A_33 = tpu.memref_slice %arg10[%mul3A_25, %dma_wait3A_32] : memref<256x128xf32, #tpu.memory_space<vmem_shared>> -> memref<16x128xf32, #tpu.memory_space<vmem_shared>>
      tpu.wait_dma2 semaphore(%run_scoped3A : memref<!tpu.dma_semaphore, #tpu.memory_space<semaphore_mem>>) src(%dma_wait3A_33 : memref<16x128xf32, #tpu.memory_space<vmem_shared>>) dst(%dma_wait3A_31 : memref<16x128xf32, #tpu.memory_space<hbm>>)
      tpu.yield
    }) : () -> ()
    return
  }
}

module attributes {stable_mosaic.version = 14 : i64} {
  func.func @body(%arg0: i32, %arg1: memref<1x2048xi32, #tpu.memory_space<vmem>>, %arg2: memref<1024x128xf32, #tpu.memory_space<vmem>>, %arg3: memref<1024x128xf32, #tpu.memory_space<vmem>>, %arg4: memref<256x128xf32, #tpu.memory_space<vmem>>, %arg5: memref<256x128xf32, #tpu.memory_space<vmem>>) attributes {dimension_semantics = [#tpu.dimension_semantics<arbitrary>], iteration_bounds = array<i64: 20>, scalar_prefetch = 0 : i64, scratch_operands = 1 : i64, tpu.core_type = #tpu.core_type<tc>, window_params = [{transform_indices = @transform_0, window_bounds = array<i64: 1, 2048>}, {transform_indices = @transform_1, window_bounds = array<i64: 1024, 128>}, {transform_indices = @transform_2, window_bounds = array<i64: 1024, 128>}, {pipeline_mode = #tpu.pipeline_mode<synchronous>, transform_indices = @transform_3, window_bounds = array<i64: 256, 128>}]} {
    %eq3A = arith.constant 0 : i32
    %eq3A_0 = arith.cmpi eq, %arg0, %eq3A : i32
    %convert_element_type3A = arith.extui %eq3A_0 : i1 to i32
    %cond3A = arith.constant 0 : i32
    %cond3A_1 = arith.cmpi ne, %convert_element_type3A, %cond3A : i32
    scf.if %cond3A_1 {
      %broadcast_in_dim3A = arith.constant 0.000000e+00 : f32
      %broadcast_in_dim3A_42 = vector.broadcast %broadcast_in_dim3A : f32 to vector<256x128xf32>
      %swap3A = arith.constant 0 : index
      %swap3A_43 = arith.constant 0 : index
      %swap3A_44 = vector.load %arg5[%swap3A, %swap3A_43] : memref<256x128xf32, #tpu.memory_space<vmem>>, vector<256x128xf32>
      tpu.vector_store %arg5[%swap3A, %swap3A_43], %broadcast_in_dim3A_42 {strides = array<i32>} : memref<256x128xf32, #tpu.memory_space<vmem>>, vector<256x128xf32>,
    } else {
    }
    %get3A = arith.constant 0 : index
    %get3A_2 = arith.constant 0 : index
    %get3A_3 = vector.load %arg1[%get3A, %get3A_2] : memref<1x2048xi32, #tpu.memory_space<vmem>>, vector<1x1xi32>
    %get3A_4 = vector.extract %get3A_3[0, 0] : i32 from vector<1x1xi32>
    %get3A_5 = arith.constant 0 : index
    %get3A_6 = arith.constant 2047 : index
    %get3A_7 = vector.load %arg1[%get3A_5, %get3A_6] : memref<1x2048xi32, #tpu.memory_space<vmem>>, vector<1x1xi32>
    %get3A_8 = vector.extract %get3A_7[0, 0] : i32 from vector<1x1xi32>
    %jit3A = arith.constant 8 : i32
    %div3A = arith.divsi %get3A_4, %jit3A : i32
    %sign3A = arith.constant 0 : i32
    %sign3A_9 = arith.cmpi sgt, %get3A_4, %sign3A : i32
    %sign3A_10 = arith.extui %sign3A_9 : i1 to i32
    %sign3A_11 = arith.constant 0 : i32
    %sign3A_12 = arith.cmpi slt, %get3A_4, %sign3A_11 : i32
    %sign3A_13 = arith.extui %sign3A_12 : i1 to i32
    %sign3A_14 = arith.subi %sign3A_10, %sign3A_13 : i32
    %sign3A_15 = arith.constant 0 : i32
    %sign3A_16 = arith.cmpi sgt, %jit3A, %sign3A_15 : i32
    %sign3A_17 = arith.extui %sign3A_16 : i1 to i32
    %sign3A_18 = arith.constant 0 : i32
    %sign3A_19 = arith.cmpi slt, %jit3A, %sign3A_18 : i32
    %sign3A_20 = arith.extui %sign3A_19 : i1 to i32
    %sign3A_21 = arith.subi %sign3A_17, %sign3A_20 : i32
    %ne3A = arith.cmpi ne, %sign3A_14, %sign3A_21 : i32
    %rem3A = arith.remsi %get3A_4, %jit3A : i32
    %ne3A_22 = arith.constant 0 : i32
    %ne3A_23 = arith.cmpi ne, %rem3A, %ne3A_22 : i32
    %and3A = arith.andi %ne3A, %ne3A_23 : i1
    %sub3A = arith.constant 1 : i32
    %sub3A_24 = arith.subi %div3A, %sub3A : i32
    %select_n3A = arith.select %and3A, %sub3A_24, %div3A : i32
    %mul3A = arith.constant 8 : i32
    %mul3A_25 = arith.muli %select_n3A, %mul3A : i32
    %min3A = arith.constant 192 : i32
    %min3A_26 = arith.minsi %mul3A_25, %min3A : i32
    %sub3A_27 = arith.subi %get3A_8, %min3A_26 : i32
    %lt3A = arith.constant 64 : i32
    %lt3A_28 = arith.cmpi slt, %sub3A_27, %lt3A : i32
    %convert_element_type3A_29 = arith.extui %lt3A_28 : i1 to i32
    %cond3A_30 = arith.constant 0 : i32
    %cond3A_31 = arith.cmpi ne, %convert_element_type3A_29, %cond3A_30 : i32
    scf.if %cond3A_31 {
      %iota3A = tpu.iota {dimensions = array<i32: 0>} : vector<64x2048xi32>
      %add3A = vector.broadcast %min3A_26 : i32 to vector<64x2048xi32>
      %add3A_42 = arith.addi %iota3A, %add3A : vector<64x2048xi32>
      %get3A_43 = arith.constant 0 : index
      %get3A_44 = arith.constant 0 : index
      %get3A_45 = vector.load %arg1[%get3A_43, %get3A_44] : memref<1x2048xi32, #tpu.memory_space<vmem>>, vector<1x2048xi32>
      %eq3A_46 = vector.broadcast %get3A_45 : vector<1x2048xi32> to vector<64x2048xi32>
      %eq3A_47 = arith.cmpi eq, %add3A_42, %eq3A_46 : vector<64x2048xi32>
      %convert_element_type3A_48 = arith.extui %eq3A_47 : vector<64x2048xi1> to vector<64x2048xi32>
      %convert_element_type3A_49 = arith.sitofp %convert_element_type3A_48 : vector<64x2048xi32> to vector<64x2048xf32>
      %get3A_50 = arith.index_cast %min3A_26 : i32 to index
      %get3A_51 = arith.constant 0 : index
      %get3A_52 = vector.load %arg5[%get3A_50, %get3A_51] : memref<256x128xf32, #tpu.memory_space<vmem>>, vector<64x128xf32>
      %slice3A = vector.extract_strided_slice %convert_element_type3A_49 {offsets = [0, 0], sizes = [64, 1024], strides = [1, 1]} : vector<64x2048xf32> to vector<64x1024xf32>
      %get3A_53 = arith.constant 0 : index
      %get3A_54 = arith.constant 0 : index
      %get3A_55 = vector.load %arg2[%get3A_53, %get3A_54] : memref<1024x128xf32, #tpu.memory_space<vmem>>, vector<1024x128xf32>
      %dot_general3A = arith.constant dense<0.000000e+00> : vector<64x128xf32>
      %dot_general3A_56 = tpu.matmul %slice3A, %get3A_55, %dot_general3A {dimension_numbers = #tpu.dot_dimension_numbers<[1], [0], [0], [1], [0, 0, 1, 1], [], []>, transpose_lhs_hint = false} : vector<64x1024xf32>, vector<1024x128xf32>, vector<64x128xf32> -> vector<64x128xf32>
      %slice3A_57 = vector.extract_strided_slice %convert_element_type3A_49 {offsets = [0, 1024], sizes = [64, 1024], strides = [1, 1]} : vector<64x2048xf32> to vector<64x1024xf32>
      %get3A_58 = arith.constant 0 : index
      %get3A_59 = arith.constant 0 : index
      %get3A_60 = vector.load %arg3[%get3A_58, %get3A_59] : memref<1024x128xf32, #tpu.memory_space<vmem>>, vector<1024x128xf32>
      %dot_general3A_61 = arith.constant dense<0.000000e+00> : vector<64x128xf32>
      %dot_general3A_62 = tpu.matmul %slice3A_57, %get3A_60, %dot_general3A_61 {dimension_numbers = #tpu.dot_dimension_numbers<[1], [0], [0], [1], [0, 0, 1, 1], [], []>, transpose_lhs_hint = false} : vector<64x1024xf32>, vector<1024x128xf32>, vector<64x128xf32> -> vector<64x128xf32>
      %add3A_63 = arith.addf %dot_general3A_56, %dot_general3A_62 : vector<64x128xf32>
      %add3A_64 = arith.addf %get3A_52, %add3A_63 : vector<64x128xf32>
      %swap3A = arith.index_cast %min3A_26 : i32 to index
      %swap3A_65 = arith.constant 0 : index
      %swap3A_66 = vector.load %arg5[%swap3A, %swap3A_65] : memref<256x128xf32, #tpu.memory_space<vmem>>, vector<64x128xf32>
      tpu.vector_store %arg5[%swap3A, %swap3A_65], %add3A_64 {strides = array<i32>} : memref<256x128xf32, #tpu.memory_space<vmem>>, vector<64x128xf32>,
    } else {
    }
    %sub3A_32 = arith.subi %get3A_8, %min3A_26 : i32
    %ge3A = arith.constant 64 : i32
    %ge3A_33 = arith.cmpi sge, %sub3A_32, %ge3A : i32
    %convert_element_type3A_34 = arith.extui %ge3A_33 : i1 to i32
    %cond3A_35 = arith.constant 0 : i32
    %cond3A_36 = arith.cmpi ne, %convert_element_type3A_34, %cond3A_35 : i32
    scf.if %cond3A_36 {
      %iota3A = tpu.iota {dimensions = array<i32: 0>} : vector<256x2048xi32>
      %get3A_42 = arith.constant 0 : index
      %get3A_43 = arith.constant 0 : index
      %get3A_44 = vector.load %arg1[%get3A_42, %get3A_43] : memref<1x2048xi32, #tpu.memory_space<vmem>>, vector<1x2048xi32>
      %eq3A_45 = vector.broadcast %get3A_44 : vector<1x2048xi32> to vector<256x2048xi32>
      %eq3A_46 = arith.cmpi eq, %iota3A, %eq3A_45 : vector<256x2048xi32>
      %convert_element_type3A_47 = arith.extui %eq3A_46 : vector<256x2048xi1> to vector<256x2048xi32>
      %convert_element_type3A_48 = arith.sitofp %convert_element_type3A_47 : vector<256x2048xi32> to vector<256x2048xf32>
      %get3A_49 = arith.constant 0 : index
      %get3A_50 = arith.constant 0 : index
      %get3A_51 = vector.load %arg5[%get3A_49, %get3A_50] : memref<256x128xf32, #tpu.memory_space<vmem>>, vector<256x128xf32>
      %slice3A = vector.extract_strided_slice %convert_element_type3A_48 {offsets = [0, 0], sizes = [256, 1024], strides = [1, 1]} : vector<256x2048xf32> to vector<256x1024xf32>
      %get3A_52 = arith.constant 0 : index
      %get3A_53 = arith.constant 0 : index
      %get3A_54 = vector.load %arg2[%get3A_52, %get3A_53] : memref<1024x128xf32, #tpu.memory_space<vmem>>, vector<1024x128xf32>
      %dot_general3A = arith.constant dense<0.000000e+00> : vector<256x128xf32>
      %dot_general3A_55 = tpu.matmul %slice3A, %get3A_54, %dot_general3A {dimension_numbers = #tpu.dot_dimension_numbers<[1], [0], [0], [1], [0, 0, 1, 1], [], []>, transpose_lhs_hint = false} : vector<256x1024xf32>, vector<1024x128xf32>, vector<256x128xf32> -> vector<256x128xf32>
      %slice3A_56 = vector.extract_strided_slice %convert_element_type3A_48 {offsets = [0, 1024], sizes = [256, 1024], strides = [1, 1]} : vector<256x2048xf32> to vector<256x1024xf32>
      %get3A_57 = arith.constant 0 : index
      %get3A_58 = arith.constant 0 : index
      %get3A_59 = vector.load %arg3[%get3A_57, %get3A_58] : memref<1024x128xf32, #tpu.memory_space<vmem>>, vector<1024x128xf32>
      %dot_general3A_60 = arith.constant dense<0.000000e+00> : vector<256x128xf32>
      %dot_general3A_61 = tpu.matmul %slice3A_56, %get3A_59, %dot_general3A_60 {dimension_numbers = #tpu.dot_dimension_numbers<[1], [0], [0], [1], [0, 0, 1, 1], [], []>, transpose_lhs_hint = false} : vector<256x1024xf32>, vector<1024x128xf32>, vector<256x128xf32> -> vector<256x128xf32>
      %add3A = arith.addf %dot_general3A_55, %dot_general3A_61 : vector<256x128xf32>
      %add3A_62 = arith.addf %get3A_51, %add3A : vector<256x128xf32>
      %swap3A = arith.constant 0 : index
      %swap3A_63 = arith.constant 0 : index
      %swap3A_64 = vector.load %arg5[%swap3A, %swap3A_63] : memref<256x128xf32, #tpu.memory_space<vmem>>, vector<256x128xf32>
      tpu.vector_store %arg5[%swap3A, %swap3A_63], %add3A_62 {strides = array<i32>} : memref<256x128xf32, #tpu.memory_space<vmem>>, vector<256x128xf32>,
    } else {
    }
    %eq3A_37 = arith.constant 19 : i32
    %eq3A_38 = arith.cmpi eq, %arg0, %eq3A_37 : i32
    %convert_element_type3A_39 = arith.extui %eq3A_38 : i1 to i32
    %cond3A_40 = arith.constant 0 : i32
    %cond3A_41 = arith.cmpi ne, %convert_element_type3A_39, %cond3A_40 : i32
    scf.if %cond3A_41 {
      %get3A_42 = arith.constant 0 : index
      %get3A_43 = arith.constant 0 : index
      %get3A_44 = vector.load %arg5[%get3A_42, %get3A_43] : memref<256x128xf32, #tpu.memory_space<vmem>>, vector<256x128xf32>
      %swap3A = arith.constant 0 : index
      %swap3A_45 = arith.constant 0 : index
      %swap3A_46 = vector.load %arg4[%swap3A, %swap3A_45] : memref<256x128xf32, #tpu.memory_space<vmem>>, vector<256x128xf32>
      tpu.vector_store %arg4[%swap3A, %swap3A_45], %get3A_44 {strides = array<i32>} : memref<256x128xf32, #tpu.memory_space<vmem>>, vector<256x128xf32>,
    } else {
    }
    return
  }
  func.func @transform_0(%arg0: i32) -> (i32, i32) {
    %c0_i32 = arith.constant 0 : i32
    %c0_i32_0 = arith.constant 0 : i32
    return %c0_i32, %arg0 : i32, i32
  }
  func.func @transform_1(%arg0: i32) -> (i32, i32) {
    %mul3A = arith.constant 2 : i32
    %mul3A_0 = arith.muli %mul3A, %arg0 : i32
    %c0_i32 = arith.constant 0 : i32
    %c0_i32_1 = arith.constant 0 : i32
    return %mul3A_0, %c0_i32 : i32, i32
  }
  func.func @transform_2(%arg0: i32) -> (i32, i32) {
    %mul3A = arith.constant 2 : i32
    %mul3A_0 = arith.muli %mul3A, %arg0 : i32
    %add3A = arith.constant 1 : i32
    %add3A_1 = arith.addi %mul3A_0, %add3A : i32
    %c0_i32 = arith.constant 0 : i32
    %c0_i32_2 = arith.constant 0 : i32
    return %add3A_1, %c0_i32 : i32, i32
  }
  func.func @transform_3(%arg0: i32) -> (i32, i32) {
    %c0_i32 = arith.constant 0 : i32
    %c0_i32_0 = arith.constant 0 : i32
    %c0_i32_1 = arith.constant 0 : i32
    return %c0_i32, %c0_i32_0 : i32, i32
  }
}

module attributes {stable_mosaic.version = 14 : i64} {
  func.func @body(%arg0: i32, %arg1: memref<2x256x128xf32, #tpu.memory_space<vmem>>, %arg2: memref<256x128xf32, #tpu.memory_space<vmem>>, %arg3: memref<160x128xf32, #tpu.memory_space<vmem>>, %arg4: memref<1x100000xi32, #tpu.memory_space<vmem>>, %arg5: memref<256x128xf32, #tpu.memory_space<vmem>>, %arg6: memref<128x256xf32, #tpu.memory_space<vmem>>, %arg7: memref<1x256xf32, #tpu.memory_space<vmem>>, %arg8: memref<1x256xf32, #tpu.memory_space<vmem>>, %arg9: memref<1x256xf32, #tpu.memory_space<vmem>>, %arg10: memref<256x128xf32, #tpu.memory_space<vmem>>, %arg11: memref<1x128xf32, #tpu.memory_space<vmem>>, %arg12: memref<1x128xf32, #tpu.memory_space<vmem>>, %arg13: memref<1x128xf32, #tpu.memory_space<vmem>>, %arg14: memref<256x128xf32, #tpu.memory_space<vmem>>) attributes {dimension_semantics = [#tpu.dimension_semantics<arbitrary>], iteration_bounds = array<i64: 1>, scalar_prefetch = 0 : i64, scratch_operands = 0 : i64, tpu.core_type = #tpu.core_type<tc>, window_params = [{pipeline_mode = #tpu.pipeline_mode<synchronous>, transform_indices = @transform_0, window_bounds = array<i64: 2, 256, 128>}, {pipeline_mode = #tpu.pipeline_mode<synchronous>, transform_indices = @transform_1, window_bounds = array<i64: 256, 128>}, {transform_indices = @transform_2, window_bounds = array<i64: 160, 128>}, {pipeline_mode = #tpu.pipeline_mode<synchronous>, transform_indices = @transform_3, window_bounds = array<i64: 1, 100000>}, {pipeline_mode = #tpu.pipeline_mode<synchronous>, transform_indices = @transform_4, window_bounds = array<i64: 256, 128>}, {pipeline_mode = #tpu.pipeline_mode<synchronous>, transform_indices = @transform_5, window_bounds = array<i64: 128, 256>}, {pipeline_mode = #tpu.pipeline_mode<synchronous>, transform_indices = @transform_6, window_bounds = array<i64: 1, 256>}, {pipeline_mode = #tpu.pipeline_mode<synchronous>, transform_indices = @transform_7, window_bounds = array<i64: 1, 256>}, {pipeline_mode = #tpu.pipeline_mode<synchronous>, transform_indices = @transform_8, window_bounds = array<i64: 1, 256>}, {pipeline_mode = #tpu.pipeline_mode<synchronous>, transform_indices = @transform_9, window_bounds = array<i64: 256, 128>}, {pipeline_mode = #tpu.pipeline_mode<synchronous>, transform_indices = @transform_10, window_bounds = array<i64: 1, 128>}, {pipeline_mode = #tpu.pipeline_mode<synchronous>, transform_indices = @transform_11, window_bounds = array<i64: 1, 128>}, {pipeline_mode = #tpu.pipeline_mode<synchronous>, transform_indices = @transform_12, window_bounds = array<i64: 1, 128>}, {pipeline_mode = #tpu.pipeline_mode<synchronous>, transform_indices = @transform_13, window_bounds = array<i64: 256, 128>}]} {
    %iota3A = tpu.iota {dimensions = array<i32: 0>} : vector<256x160xi32>
    %get3A = arith.constant 0 : index
    %get3A_0 = arith.constant 99840 : index
    %get3A_1 = vector.load %arg4[%get3A, %get3A_0] : memref<1x100000xi32, #tpu.memory_space<vmem>>, vector<1x160xi32>
    %eq3A = vector.broadcast %get3A_1 : vector<1x160xi32> to vector<256x160xi32>
    %eq3A_2 = arith.cmpi eq, %iota3A, %eq3A : vector<256x160xi32>
    %convert_element_type3A = arith.extui %eq3A_2 : vector<256x160xi1> to vector<256x160xi32>
    %convert_element_type3A_3 = arith.sitofp %convert_element_type3A : vector<256x160xi32> to vector<256x160xf32>
    %get3A_4 = arith.constant 0 : index
    %get3A_5 = arith.constant 0 : index
    %get3A_6 = vector.load %arg3[%get3A_4, %get3A_5] : memref<160x128xf32, #tpu.memory_space<vmem>>, vector<160x128xf32>
    %dot_general3A = arith.constant dense<0.000000e+00> : vector<256x128xf32>
    %dot_general3A_7 = tpu.matmul %convert_element_type3A_3, %get3A_6, %dot_general3A {dimension_numbers = #tpu.dot_dimension_numbers<[1], [0], [0], [1], [0, 0, 1, 1], [], []>, transpose_lhs_hint = false} : vector<256x160xf32>, vector<160x128xf32>, vector<256x128xf32> -> vector<256x128xf32>
    %get3A_8 = arith.constant 0 : index
    %get3A_9 = arith.constant 0 : index
    %get3A_10 = vector.load %arg5[%get3A_8, %get3A_9] : memref<256x128xf32, #tpu.memory_space<vmem>>, vector<256x128xf32>
    %get3A_11 = arith.constant 0 : index
    %get3A_12 = arith.constant 0 : index
    %get3A_13 = arith.constant 0 : index
    %get3A_14 = vector.load %arg1[%get3A_11, %get3A_12, %get3A_13] : memref<2x256x128xf32, #tpu.memory_space<vmem>>, vector<1x256x128xf32>
    %get3A_15 = vector.shape_cast %get3A_14 : vector<1x256x128xf32> to vector<256x128xf32>
    %get3A_16 = arith.constant 1 : index
    %get3A_17 = arith.constant 0 : index
    %get3A_18 = arith.constant 0 : index
    %get3A_19 = vector.load %arg1[%get3A_16, %get3A_17, %get3A_18] : memref<2x256x128xf32, #tpu.memory_space<vmem>>, vector<1x256x128xf32>
    %get3A_20 = vector.shape_cast %get3A_19 : vector<1x256x128xf32> to vector<256x128xf32>
    %add3A = arith.addf %get3A_15, %get3A_20 : vector<256x128xf32>
    %get3A_21 = arith.constant 0 : index
    %get3A_22 = arith.constant 0 : index
    %get3A_23 = vector.load %arg2[%get3A_21, %get3A_22] : memref<256x128xf32, #tpu.memory_space<vmem>>, vector<256x128xf32>
    %add3A_24 = arith.addf %add3A, %get3A_23 : vector<256x128xf32>
    %add3A_25 = arith.addf %add3A_24, %dot_general3A_7 : vector<256x128xf32>
    %add3A_26 = arith.addf %get3A_10, %add3A_25 : vector<256x128xf32>
    %get3A_27 = arith.constant 0 : index
    %get3A_28 = arith.constant 0 : index
    %get3A_29 = vector.load %arg6[%get3A_27, %get3A_28] : memref<128x256xf32, #tpu.memory_space<vmem>>, vector<128x256xf32>
    %dot_general3A_30 = arith.constant dense<0.000000e+00> : vector<256x256xf32>
    %dot_general3A_31 = tpu.matmul %add3A_26, %get3A_29, %dot_general3A_30 {dimension_numbers = #tpu.dot_dimension_numbers<[1], [0], [0], [1], [0, 0, 1, 1], [], []>, transpose_lhs_hint = false} : vector<256x128xf32>, vector<128x256xf32>, vector<256x256xf32> -> vector<256x256xf32>
    %get3A_32 = arith.constant 0 : index
    %get3A_33 = arith.constant 0 : index
    %get3A_34 = vector.load %arg7[%get3A_32, %get3A_33] : memref<1x256xf32, #tpu.memory_space<vmem>>, vector<1x256xf32>
    %add3A_35 = vector.broadcast %get3A_34 : vector<1x256xf32> to vector<256x256xf32>
    %add3A_36 = arith.addf %dot_general3A_31, %add3A_35 : vector<256x256xf32>
    %reduce_sum3A = arith.constant dense<0.000000e+00> : vector<256xf32>
    %reduce_sum3A_37 = vector.multi_reduction <add>, %add3A_36, %reduce_sum3A [0] : vector<256x256xf32> to vector<256xf32>
    %broadcast_in_dim3A = vector.shape_cast %reduce_sum3A_37 : vector<256xf32> to vector<1x256xf32>
    %div3A = arith.constant 2.560000e+02 : f32
    %div3A_38 = vector.broadcast %div3A : f32 to vector<1x256xf32>
    %div3A_39 = arith.divf %broadcast_in_dim3A, %div3A_38 : vector<1x256xf32>
    %sub3A = vector.broadcast %div3A_39 : vector<1x256xf32> to vector<256x256xf32>
    %sub3A_40 = arith.subf %add3A_36, %sub3A : vector<256x256xf32>
    %sub3A_41 = vector.broadcast %div3A_39 : vector<1x256xf32> to vector<256x256xf32>
    %sub3A_42 = arith.subf %add3A_36, %sub3A_41 : vector<256x256xf32>
    %mul3A = arith.mulf %sub3A_40, %sub3A_42 : vector<256x256xf32>
    %reduce_sum3A_43 = arith.constant dense<0.000000e+00> : vector<256xf32>
    %reduce_sum3A_44 = vector.multi_reduction <add>, %mul3A, %reduce_sum3A_43 [0] : vector<256x256xf32> to vector<256xf32>
    %broadcast_in_dim3A_45 = vector.shape_cast %reduce_sum3A_44 : vector<256xf32> to vector<1x256xf32>
    %div3A_46 = arith.constant 2.560000e+02 : f32
    %div3A_47 = vector.broadcast %div3A_46 : f32 to vector<1x256xf32>
    %div3A_48 = arith.divf %broadcast_in_dim3A_45, %div3A_47 : vector<1x256xf32>
    %sub3A_49 = vector.broadcast %div3A_39 : vector<1x256xf32> to vector<256x256xf32>
    %sub3A_50 = arith.subf %add3A_36, %sub3A_49 : vector<256x256xf32>
    %add3A_51 = arith.constant 9.99999974E-6 : f32
    %add3A_52 = vector.broadcast %add3A_51 : f32 to vector<1x256xf32>
    %add3A_53 = arith.addf %div3A_48, %add3A_52 : vector<1x256xf32>
    %sqrt3A = math.sqrt %add3A_53 : vector<1x256xf32>
    %div3A_54 = vector.broadcast %sqrt3A : vector<1x256xf32> to vector<256x256xf32>
    %div3A_55 = arith.divf %sub3A_50, %div3A_54 : vector<256x256xf32>
    %get3A_56 = arith.constant 0 : index
    %get3A_57 = arith.constant 0 : index
    %get3A_58 = vector.load %arg8[%get3A_56, %get3A_57] : memref<1x256xf32, #tpu.memory_space<vmem>>, vector<1x256xf32>
    %mul3A_59 = vector.broadcast %get3A_58 : vector<1x256xf32> to vector<256x256xf32>
    %mul3A_60 = arith.mulf %div3A_55, %mul3A_59 : vector<256x256xf32>
    %get3A_61 = arith.constant 0 : index
    %get3A_62 = arith.constant 0 : index
    %get3A_63 = vector.load %arg9[%get3A_61, %get3A_62] : memref<1x256xf32, #tpu.memory_space<vmem>>, vector<1x256xf32>
    %add3A_64 = vector.broadcast %get3A_63 : vector<1x256xf32> to vector<256x256xf32>
    %add3A_65 = arith.addf %mul3A_60, %add3A_64 : vector<256x256xf32>
    %max3A = arith.constant 0.000000e+00 : f32
    %max3A_66 = vector.broadcast %max3A : f32 to vector<256x256xf32>
    %max3A_67 = arith.maximumf %add3A_65, %max3A_66 : vector<256x256xf32>
    %get3A_68 = arith.constant 0 : index
    %get3A_69 = arith.constant 0 : index
    %get3A_70 = vector.load %arg10[%get3A_68, %get3A_69] : memref<256x128xf32, #tpu.memory_space<vmem>>, vector<256x128xf32>
    %dot_general3A_71 = arith.constant dense<0.000000e+00> : vector<256x128xf32>
    %dot_general3A_72 = tpu.matmul %max3A_67, %get3A_70, %dot_general3A_71 {dimension_numbers = #tpu.dot_dimension_numbers<[1], [0], [0], [1], [0, 0, 1, 1], [], []>, transpose_lhs_hint = false} : vector<256x256xf32>, vector<256x128xf32>, vector<256x128xf32> -> vector<256x128xf32>
    %get3A_73 = arith.constant 0 : index
    %get3A_74 = arith.constant 0 : index
    %get3A_75 = vector.load %arg11[%get3A_73, %get3A_74] : memref<1x128xf32, #tpu.memory_space<vmem>>, vector<1x128xf32>
    %add3A_76 = vector.broadcast %get3A_75 : vector<1x128xf32> to vector<256x128xf32>
    %add3A_77 = arith.addf %dot_general3A_72, %add3A_76 : vector<256x128xf32>
    %reduce_sum3A_78 = arith.constant dense<0.000000e+00> : vector<128xf32>
    %reduce_sum3A_79 = vector.multi_reduction <add>, %add3A_77, %reduce_sum3A_78 [0] : vector<256x128xf32> to vector<128xf32>
    %broadcast_in_dim3A_80 = vector.shape_cast %reduce_sum3A_79 : vector<128xf32> to vector<1x128xf32>
    %div3A_81 = arith.constant 2.560000e+02 : f32
    %div3A_82 = vector.broadcast %div3A_81 : f32 to vector<1x128xf32>
    %div3A_83 = arith.divf %broadcast_in_dim3A_80, %div3A_82 : vector<1x128xf32>
    %sub3A_84 = vector.broadcast %div3A_83 : vector<1x128xf32> to vector<256x128xf32>
    %sub3A_85 = arith.subf %add3A_77, %sub3A_84 : vector<256x128xf32>
    %sub3A_86 = vector.broadcast %div3A_83 : vector<1x128xf32> to vector<256x128xf32>
    %sub3A_87 = arith.subf %add3A_77, %sub3A_86 : vector<256x128xf32>
    %mul3A_88 = arith.mulf %sub3A_85, %sub3A_87 : vector<256x128xf32>
    %reduce_sum3A_89 = arith.constant dense<0.000000e+00> : vector<128xf32>
    %reduce_sum3A_90 = vector.multi_reduction <add>, %mul3A_88, %reduce_sum3A_89 [0] : vector<256x128xf32> to vector<128xf32>
    %broadcast_in_dim3A_91 = vector.shape_cast %reduce_sum3A_90 : vector<128xf32> to vector<1x128xf32>
    %div3A_92 = arith.constant 2.560000e+02 : f32
    %div3A_93 = vector.broadcast %div3A_92 : f32 to vector<1x128xf32>
    %div3A_94 = arith.divf %broadcast_in_dim3A_91, %div3A_93 : vector<1x128xf32>
    %sub3A_95 = vector.broadcast %div3A_83 : vector<1x128xf32> to vector<256x128xf32>
    %sub3A_96 = arith.subf %add3A_77, %sub3A_95 : vector<256x128xf32>
    %add3A_97 = arith.constant 9.99999974E-6 : f32
    %add3A_98 = vector.broadcast %add3A_97 : f32 to vector<1x128xf32>
    %add3A_99 = arith.addf %div3A_94, %add3A_98 : vector<1x128xf32>
    %sqrt3A_100 = math.sqrt %add3A_99 : vector<1x128xf32>
    %div3A_101 = vector.broadcast %sqrt3A_100 : vector<1x128xf32> to vector<256x128xf32>
    %div3A_102 = arith.divf %sub3A_96, %div3A_101 : vector<256x128xf32>
    %get3A_103 = arith.constant 0 : index
    %get3A_104 = arith.constant 0 : index
    %get3A_105 = vector.load %arg12[%get3A_103, %get3A_104] : memref<1x128xf32, #tpu.memory_space<vmem>>, vector<1x128xf32>
    %mul3A_106 = vector.broadcast %get3A_105 : vector<1x128xf32> to vector<256x128xf32>
    %mul3A_107 = arith.mulf %div3A_102, %mul3A_106 : vector<256x128xf32>
    %get3A_108 = arith.constant 0 : index
    %get3A_109 = arith.constant 0 : index
    %get3A_110 = vector.load %arg13[%get3A_108, %get3A_109] : memref<1x128xf32, #tpu.memory_space<vmem>>, vector<1x128xf32>
    %add3A_111 = vector.broadcast %get3A_110 : vector<1x128xf32> to vector<256x128xf32>
    %add3A_112 = arith.addf %mul3A_107, %add3A_111 : vector<256x128xf32>
    %max3A_113 = arith.constant 0.000000e+00 : f32
    %max3A_114 = vector.broadcast %max3A_113 : f32 to vector<256x128xf32>
    %max3A_115 = arith.maximumf %add3A_112, %max3A_114 : vector<256x128xf32>
    %swap3A = arith.constant 0 : index
    %swap3A_116 = arith.constant 0 : index
    %swap3A_117 = vector.load %arg14[%swap3A, %swap3A_116] : memref<256x128xf32, #tpu.memory_space<vmem>>, vector<256x128xf32>
    tpu.vector_store %arg14[%swap3A, %swap3A_116], %max3A_115 {strides = array<i32>} : memref<256x128xf32, #tpu.memory_space<vmem>>, vector<256x128xf32>,
    return
  }
  func.func @transform_0(%arg0: i32) -> (i32, i32, i32) {
    %c0_i32 = arith.constant 0 : i32
    %c0_i32_0 = arith.constant 0 : i32
    %c0_i32_1 = arith.constant 0 : i32
    %c0_i32_2 = arith.constant 0 : i32
    return %c0_i32, %c0_i32_0, %c0_i32_1 : i32, i32, i32
  }
  func.func @transform_1(%arg0: i32) -> (i32, i32) {
    %c0_i32 = arith.constant 0 : i32
    %c0_i32_0 = arith.constant 0 : i32
    %c0_i32_1 = arith.constant 0 : i32
    return %c0_i32, %c0_i32_0 : i32, i32
  }
  func.func @transform_2(%arg0: i32) -> (i32, i32) {
    %c624_i32 = arith.constant 624 : i32
    %c0_i32 = arith.constant 0 : i32
    %c0_i32_0 = arith.constant 0 : i32
    return %c624_i32, %c0_i32 : i32, i32
  }
  func.func @transform_3(%arg0: i32) -> (i32, i32) {
    %c0_i32 = arith.constant 0 : i32
    %c0_i32_0 = arith.constant 0 : i32
    %c0_i32_1 = arith.constant 0 : i32
    return %c0_i32, %c0_i32_0 : i32, i32
  }
  func.func @transform_4(%arg0: i32) -> (i32, i32) {
    %c0_i32 = arith.constant 0 : i32
    %c0_i32_0 = arith.constant 0 : i32
    %c0_i32_1 = arith.constant 0 : i32
    return %c0_i32, %c0_i32_0 : i32, i32
  }
  func.func @transform_5(%arg0: i32) -> (i32, i32) {
    %c0_i32 = arith.constant 0 : i32
    %c0_i32_0 = arith.constant 0 : i32
    %c0_i32_1 = arith.constant 0 : i32
    return %c0_i32, %c0_i32_0 : i32, i32
  }
  func.func @transform_6(%arg0: i32) -> (i32, i32) {
    %c0_i32 = arith.constant 0 : i32
    %c0_i32_0 = arith.constant 0 : i32
    %c0_i32_1 = arith.constant 0 : i32
    return %c0_i32, %c0_i32_0 : i32, i32
  }
  func.func @transform_7(%arg0: i32) -> (i32, i32) {
    %c0_i32 = arith.constant 0 : i32
    %c0_i32_0 = arith.constant 0 : i32
    %c0_i32_1 = arith.constant 0 : i32
    return %c0_i32, %c0_i32_0 : i32, i32
  }
  func.func @transform_8(%arg0: i32) -> (i32, i32) {
    %c0_i32 = arith.constant 0 : i32
    %c0_i32_0 = arith.constant 0 : i32
    %c0_i32_1 = arith.constant 0 : i32
    return %c0_i32, %c0_i32_0 : i32, i32
  }
  func.func @transform_9(%arg0: i32) -> (i32, i32) {
    %c0_i32 = arith.constant 0 : i32
    %c0_i32_0 = arith.constant 0 : i32
    %c0_i32_1 = arith.constant 0 : i32
    return %c0_i32, %c0_i32_0 : i32, i32
  }
  func.func @transform_10(%arg0: i32) -> (i32, i32) {
    %c0_i32 = arith.constant 0 : i32
    %c0_i32_0 = arith.constant 0 : i32
    %c0_i32_1 = arith.constant 0 : i32
    return %c0_i32, %c0_i32_0 : i32, i32
  }
  func.func @transform_11(%arg0: i32) -> (i32, i32) {
    %c0_i32 = arith.constant 0 : i32
    %c0_i32_0 = arith.constant 0 : i32
    %c0_i32_1 = arith.constant 0 : i32
    return %c0_i32, %c0_i32_0 : i32, i32
  }
  func.func @transform_12(%arg0: i32) -> (i32, i32) {
    %c0_i32 = arith.constant 0 : i32
    %c0_i32_0 = arith.constant 0 : i32
    %c0_i32_1 = arith.constant 0 : i32
    return %c0_i32, %c0_i32_0 : i32, i32
  }
  func.func @transform_13(%arg0: i32) -> (i32, i32) {
    %c0_i32 = arith.constant 0 : i32
    %c0_i32_0 = arith.constant 0 : i32
    %c0_i32_1 = arith.constant 0 : i32
    return %c0_i32, %c0_i32_0 : i32, i32
  }
}

</mosaic_0001>

<sc_bundles>
// kernel: kernel.5.cloned.1.call-start
scs
__scs_entry_jumppad:
0x0: {  	(pc) =	sbr.rel $0x88, $3  }
0x1: {  	(tag) =	ssettag $0x0;
	lr =	simm.s32 $0x1  }
0x2: {  	[smem:$0x3F96] =	sst lr;
	_ =	strace $0xD0000000  }
0x3: {  	_ = 	snop  }
0x4: {  	_ = 	snop  }
0x5: {  	_ = 	snop  }
0x6: {  	_ = 	snop  }
0x7: {  	_ = 	snop  }
__scs_overlays_trampoline_lowered:
0x8: {  	[smem:$0x3FA5] =	sst s0  }
0x9: {  	[smem:$0x3FA6] =	sst s1  }
0xa: {  	[smem:$0x3FA7] =	sst s2  }
0xb: {  	[smem:$0x3FA8] =	sst s3  }
0xc: {  	[smem:$0x3FA9] =	sst s4  }
0xd: {  	[smem:$0x3FAA] =	sst s5  }
0xe: {  	[smem:$0x3FAB] =	sst s6  }
0xf: {  	[smem:$0x3FAC] =	sst s7  }
0x10: {  	[smem:$0x3FAD] =	sst s8  }
0x11: {  	[smem:$0x3FAE] =	sst s9;
	s0 =	simm.s32 @!p0 $0x0  }
0x12: {  	s1 =	sld [smem:$0x3F94];
	s0 =	simm.s32 @p0 $0x1  }
0x13: {  	[smem:$0x3FAF] =	sst s0;
	s0 =	simm.s32 @!p1 $0x0  }
0x14: {  	s2 =	sld [smem:$0x3F93];
	s0 =	simm.s32 @p1 $0x1  }
0x15: {  	[smem:$0x3FB0] =	sst s0;
	s0 =	simm.s32 @!p2 $0x0  }
0x16: {  	s3 =	sld [smem:$0x3FDB];
	s0 =	simm.s32 @p2 $0x1  }
0x17: {  	s4 =	simm.s32 $0x1BF5;
	[smem:$0x3FB2] =	sst s0  }
0x18: {  	s0 =	sld [smem:$0x3F95];
	_ =	swait.ge [sflag:s4], $0x0  }
0x19: {  	s7 =	sld [smem:$0x3F96]  }
0x1a: {  	s8 =	sadd.s32 $0xFFFFE003, lr  }
0x1b: {  	s9 =	sadd.s32 $0xFFFFFEF7, lr;
	s5 =	simm.s32 $0xFFFFFFFF;
	p2 =	slt.u32 s8, $0xFFFFF086  }
0x1c: {  	p1 =	slt.u32 s9, $0xF7A;
	s5 =	simm.s32 @!p2 $0x0  }
0x1d: {  	s5 =	simm.s32 @p1 $0x1;
	p0 =	seq.s32 s7, s2  }
0x1e: {  	s7 =	smul.u32 @!p0 $0xF7A, s2;
	p2 =	seq.s32 @!p0 s5, $0x0  }
0x1f: {  	s9 =	smul.u32 $0xF7A, s1;
	s8 =	simm.s32 @!p0 $0x1BF5;
	p2 =	por !p2, p0  }
0x20: {  	[sflag:s8] =	ssyncset.s32 @!p0 $0xFFFFF086;
	s6 =	sadd.s32 @!p0 s3, s7;
	s7 =	simm.s32 @!p0 $0x108  }
0x21: {  	s3 =	sadd.s32 s3, s9;
	s6 =	sadd.s32 @!p0 $0x88, s6;
	s7 =	simm.s32 @p2 $0x1082  }
0x22: {  	[simem:s7], [sflag:s8] =	dma.local @!p0 [hbm:s6], $0xF7A  }
0x23: {  	s9 =	sor.u32 $0xD0000000, s2;
	s6 =	simm.s32 $0x108;
	_ =	swait.ge @!p0 [sflag:s8], $0x0  }
0x24: {  	s3 =	sadd.s32 $0x88, s3;
	s6 =	simm.s32 @!p1 $0x1082;
	[sflag:s4] =	ssyncset.s32 $0xFFFFF086  }
0x25: {  	[simem:s6], [sflag:s4] =	dma.local [hbm:s3], $0xF7A  }
0x26: {  	[smem:$0x3F96] =	sst s1;
	(tag) =	ssettag s2;
	_ =	strace s9  }
0x27: {  	s1 =	sld [smem:$0x3FA6]  }
0x28: {  	s2 =	sld [smem:$0x3FA7]  }
0x29: {  	s4 =	sld [smem:$0x3FA9]  }
0x2a: {  	p0 =	seq.s32 s5, $0x0;
	s5 =	sld [smem:$0x3FAA]  }
0x2b: {  	s6 =	sld [smem:$0x3FAB]  }
0x2c: {  	s7 =	sld [smem:$0x3FAC]  }
0x2d: {  	s3 =	simm.s32 $0x108;
	s8 =	sld [smem:$0x3FAD]  }
0x2e: {  	s3 =	simm.s32 @!p0 $0x1082;
	s9 =	sld [smem:$0x3FAE]  }
0x2f: {  	lr =	sadd.s32 s0, s3;
	s0 =	sld [smem:$0x3FA5]  }
0x30: {  	s3 =	sld [smem:$0x3FA8]  }
0x31: {  	[smem:$0x3FB1] =	sst s10  }
0x32: {  	s10 =	sld [smem:$0x3FAF];
	_ =	sdelay $0x3  }
0x33: {  	p0 =	seq.s32 s10, $0x1;
	s10 =	sld [smem:$0x3FB1];
	_ =	sdelay $0x3  }
0x34: {  	[smem:$0x3FB1] =	sst s10  }
0x35: {  	s10 =	sld [smem:$0x3FB0];
	_ =	sdelay $0x3  }
0x36: {  	p1 =	seq.s32 s10, $0x1;
	s10 =	sld [smem:$0x3FB1];
	_ =	sdelay $0x3  }
0x37: {  	[smem:$0x3FB1] =	sst s10  }
0x38: {  	s10 =	sld [smem:$0x3FB2]  }
0x39: {  	_ = 	snop;
	(pc) =	sbr.ind lr, $3  }
0x3a: {  	_ = 	snop  }
0x3b: {  	_ = 	snop  }
0x3c: {  	p2 =	seq.s32 s10, $0x1;
	s10 =	sld [smem:$0x3FB1]  }
0x3d: {  	_ =	shalt  }
0x3e: {  	_ =	shalt  }
0x3f: {  	_ =	shalt  }
0x40: {  	_ =	shalt  }
0x41: {  	_ =	shalt  }
0x42: {  	_ =	shalt  }
0x43: {  	_ =	shalt  }
0x44: {  	_ =	shalt  }
0x45: {  	_ =	shalt  }
0x46: {  	_ =	shalt  }
0x47: {  	_ =	shalt  }
0x48: {  	_ =	shalt  }
0x49: {  	_ =	shalt  }
0x4a: {  	_ =	shalt  }
0x4b: {  	_ =	shalt  }
0x4c: {  	_ =	shalt  }
0x4d: {  	_ =	shalt  }
0x4e: {  	_ =	shalt  }
0x4f: {  	_ =	shalt  }
0x50: {  	_ =	shalt  }
0x51: {  	_ =	shalt  }
0x52: {  	_ =	shalt  }
0x53: {  	_ =	shalt  }
0x54: {  	_ =	shalt  }
0x55: {  	_ =	shalt  }
0x56: {  	_ =	shalt  }
0x57: {  	_ =	shalt  }
0x58: {  	_ =	shalt  }
0x59: {  	_ =	shalt  }
0x5a: {  	_ =	shalt  }
0x5b: {  	_ =	shalt  }
0x5c: {  	_ =	shalt  }
0x5d: {  	_ =	shalt  }
0x5e: {  	_ =	shalt  }
0x5f: {  	_ =	shalt  }
0x60: {  	_ =	shalt  }
0x61: {  	_ =	shalt  }
0x62: {  	_ =	shalt  }
0x63: {  	_ =	shalt  }
0x64: {  	_ =	shalt  }
0x65: {  	_ =	shalt  }
0x66: {  	_ =	shalt  }
0x67: {  	_ =	shalt  }
0x68: {  	_ =	shalt  }
0x69: {  	_ =	shalt  }
0x6a: {  	_ =	shalt  }
0x6b: {  	_ =	shalt  }
0x6c: {  	_ =	shalt  }
0x6d: {  	_ =	shalt  }
0x6e: {  	_ =	shalt  }
0x6f: {  	_ =	shalt  }
0x70: {  	_ =	shalt  }
0x71: {  	_ =	shalt  }
0x72: {  	_ =	shalt  }
0x73: {  	_ =	shalt  }
0x74: {  	_ =	shalt  }
0x75: {  	_ =	shalt  }
0x76: {  	_ =	shalt  }
0x77: {  	_ =	shalt  }
0x78: {  	_ =	shalt  }
0x79: {  	_ =	shalt  }
0x7a: {  	_ =	shalt  }
0x7b: {  	_ =	shalt  }
0x7c: {  	_ =	shalt  }
0x7d: {  	_ =	shalt  }
0x7e: {  	_ =	shalt  }
0x7f: {  	_ =	shalt  }
0x80: {  	_ =	shalt  }
0x81: {  	_ =	shalt  }
0x82: {  	_ =	shalt  }
0x83: {  	_ =	shalt  }
0x84: {  	_ =	shalt  }
0x85: {  	_ =	shalt  }
0x86: {  	_ =	shalt  }
0x87: {  	_ =	shalt  }
.Lfunc_end0:
.L_simem_size_0:
called_computation_lowered:
.L_overlay_start_0:
0x88: {  	s2 =	sld [smem:$0x3FD9]  }
0x89: {  	s3 =	sld [smem:$0x3FFE];
	_ =	sdelay $0x1  }
0x8a: {  	s1 =	srdreg.scid  }
0x8b: {  	s0 =	sand.u32 $0x1, s1  }
0x8c: {  	s17 =	sshll.u32 s0, $0xA;
	s2 =	sadd.s32 s3, s2  }
0x8d: {  	s2 =	sadd.s32 s2, s17  }
0x8e: {  	[smem:$0x3FBD] =	sst s2  }
0x8f: {  	_ = 	snop  }
0x90: {  	s2 =	sld [smem:$0x3FC8]  }
0x91: {  	s18 =	sld [smem:$0x3FC7];
	(tm) =	ssettm $0x1  }
0x92: {  	s4 =	sld [smem:$0x3FFB];
	_ =	sdelay $0x3  }
0x93: {  	_ =	strace s4  }
0x94: {  	s4 =	sld [smem:$0x3FFC];
	_ =	sdelay $0x3  }
0x95: {  	_ =	strace s4  }
0x96: {  	s4 =	sld [smem:$0x3FFD];
	_ =	sdelay $0x3  }
0x97: {  	_ =	strace s4  }
0x98: {  	_ =	strace $0x8FFFFFFF  }
0x99: {  	s19 =	sld [smem:$0x3FDB];
	_ =	sdelay $0x1  }
0x9a: {  	s5 =	simm.s32 $_scs_section_size  }
0x9b: {  	s6 =	simm.s32 $_size__tile_overlayer_lowered;
	s7 =	simm.s32 $_tile_overlayer_lowered  }
0x9c: {  	s22 =	simm.s32 $0x1BFF;
	s21 =	sshll.u32 s7, $0x1;
	s4 =	sadd.s32 s5, s19  }
0x9d: {  	s8 =	simm.s32 $0x0;
	s20 =	sshll.u32 s6, $0x1;
	s6 =	sadd.s32 s21, s4  }
0x9e: {  	[timem:s8], [sflag:s22] =	dma.local [hbm:s6], s20  }
0x9f: {  	_ =	swait.ge [sflag:s22], s20  }
0xa0: {  	s5 =	ssub.s32 $0x0, s20;
	[sflag:s22] =	ssyncset.done $0x0  }
0xa1: {  	[sflag:s22] =	ssyncadd.s32 s5;
	_ =	sdelay $0x1  }
0xa2: {  	s23 =	simm.s32 $0x1B8B  }
0xa3: {  	_ =	swait.ge [sflag:s23], $0x1  }
0xa4: {  	[sflag:s23] =	ssyncset.done $0x0  }
0xa5: {  	s25 =	simm.s32 $0x1B8E;
	s24 =	sld [smem:$0x3FFE];
	[sflag:s23] =	ssyncadd.s32 $0xFFFFFFFF  }
0xa6: {  	s26 =	simm.s32 $execute0_lowered;
	[smem:$0x3FD2] =	sst s25  }
0xa7: {  	s6 =	sshll.u32 s26, $0x1;
	_ =	strace $0x80000046;
	[dreg:$0x1] =	wrdreg $0xFFFFFFFF  }
0xa8: {  	s28 =	simm.s32 $_size_execute0_lowered;
	s4 =	sadd.s32 s4, s6;
	[dreg:$0x0] =	wrdreg $0x0  }
0xa9: {  	s6 =	sshll.u32 s28, $0x1;
	[dreg:$0x2] =	wrdreg s4  }
0xaa: {  	[dreg:$0x3] =	wrdreg s6  }
0xab: {  	[dreg:$0x4] =	wrdreg $0xC0  }
0xac: {  	_ =	task [dreg:s8], $0x5FFFF  }
0xad: {  	[dreg:$0x1] =	wrdreg $0xFFFFFFFF  }
0xae: {  	[dreg:$0x0] =	wrdreg $0x60  }
0xaf: {  	[dreg:$0x2] =	wrdreg s2  }
0xb0: {  	[dreg:$0x3] =	wrdreg s18  }
0xb1: {  	[dreg:$0x4] =	wrdreg s24  }
0xb2: {  	[dreg:$0x5] =	wrdreg $0x10A000  }
0xb3: {  	[dreg:$0x6] =	wrdreg $0x9  }
0xb4: {  	_ =	task.clear_ibuf [dreg:s8], $0x7FFFF;
	_ =	strace $0x90000046  }
0xb5: {  	s29 =	simm.s32 $0x9;
	_ =	strace $0x80000048  }
0xb6: {  	_ =	swait.ge [sflag:s29], $0x1  }
0xb7: {  	[sflag:s29] =	ssyncadd.s32 $0xFFFFFFFF  }
0xb8: {  	_ =	strace $0x90000048  }
0xb9: {  	_ =	sfence  }
0xba: {  	s30 =	sld [smem:$0x0];
	_ =	sdelay $0x2  }
0xbb: {  	s31 =	sshll.u32 s1, $0xD;
	s1 =	sshrl.u32 s1, $0x2  }
0xbc: {  	s3 =	sand.u32 $0x4000, s31;
	s1 =	sadd.s32 s1, s30  }
0xbd: {  	s0 =	sor.u32 s3, s0;
	s1 =	sshll.u32 s1, $0x11  }
0xbe: {  	s0 =	sor.u32 s1, s0  }
0xbf: {  	s0 =	sadd.s32 $0x8F2B, s0  }
0xc0: {  	[sflag:s0] =	ssyncadd.remote.s32 $0x1  }
0xc1: {  	_ =	sfence.sel $0xFFFF  }
0xc2: {  	[dreg:$0x0] =	wrdreg $0xFFFFFFFF;
	(pc) =	sbr.abs _section_cstart, $3  }
0xc3: {  	[dreg:$0x1] =	wrdreg $0xFFFFFFFF  }
0xc4: {  	_ =	task.clear_ibuf [dreg:s8], $0x2FFFF;
	_ =	strace $0x9FFFFFFF  }
0xc5: {  	(tm) =	ssettm $0x7FFFFFFF  }
tec
execute0_lowered:
.L_overlay_start_1:
0x0: {  	(tag) =	ssettag $0x1  }
0x1: {  	s0 =	rddreg [dreg:$0x0]  }
0x2: {  	s3 =	rddreg [dreg:$0x1]  }
0x3: {  	s5 =	rddreg [dreg:$0x2]  }
0x4: {  	s1 =	rddreg [dreg:$0x3];
	s2 =	simm.s32 $0x0  }
0x5: {  	s4 =	srdreg.scid;
	s19 =	stileid.u32;
	s31 =	simm.s32 $0x4000  }
0x6: {  	[smem:$0x7FF] =	sst s2;
	s13 =	sand.u32 $0x1, s4;
	s11 =	sshll.u32 s19, $0x8  }
0x7: {  	s21 =	sshll.u32 s19, $0xB;
	s28 =	sshll.u32 s19, $0xC;
	_ =	strace $0x80000047  }
0x8: {  	s4 =	sshll.u32 s13, $0x4;
	s6 =	ssub.s32 $0x2, s13;
	s12 =	sadd.s32 s11, s5  }
0x9: {  	s5 =	sadd.s32 s21, s1;
	s17 =	sshll.u32 s13, $0xC;
	s13 =	sshll.u32 s13, $0x10  }
0xa: {  	s21 =	simm.s32 $0x10180;
	[dreg:$0x5] =	wrdreg s31;
	s4 =	sor.u32 s19, s4  }
0xb: {  	s20 =	sshrl.u32 s6, $0x1;
	s23 =	sor.u32 s11, s17;
	s12 =	sadd.s32 s17, s12  }
0xc: {  	s9 =	sshll.u32 s4, $0x8;
	s14 =	ssub.s32 s6, s20;
	s8 =	sshll.u32 s4, $0x5  }
0xd: {  	s24 =	ssub.s32 $0xC6, s4;
	s18 =	sor.u32 $0x10080, s23;
	s12 =	sadd.s32 $0x1A00, s12  }
0xe: {  	s26 =	sor.u32 $0x10000, s23;
	s29 =	sor.u32 $0xE080, s23;
	s7 =	sor.u32 $0xA000, s9  }
0xf: {  	s15 =	sadd.s32 s8, s3;
	s9 =	sor.u32 $0xC000, s9;
	[dreg:$0x8] =	wrdreg s24  }
0x10: {  	s25 =	sshrl.u32 s18, $0x3;
	s17 =	sshrl.u32 s29, $0x3;
	s18 =	simm.s32 $0x10080  }
0x11: {  	s24 =	simm.s32 $0x0;
	s22 =	sshll.u32 s7, $0x4;
	s7 =	sshrl.u32 s7, $0x3  }
0x12: {  	s8 =	sadd.s32 $0x1410, s15;
	s10 =	sshll.u32 s9, $0x4;
	s16 =	sshrl.u32 s9, $0x3  }
0x13: {  	s11 =	sadd.s32 $0x1810, s15;
	s15 =	sadd.s32 s25, s3;
	s30 =	sadd.s32 s17, s3  }
0x14: {  	s17 =	simm.s32 $0x10000;
	s6 =	sadd.s32 s0, s22;
	s7 =	sadd.s32 s3, s7  }
0x15: {  	s9 =	sadd.s32 s0, s10;
	s10 =	sadd.s32 s3, s16;
	[dreg:$0xa] =	wrdreg s15  }
0x16: {  	s0 =	sadd.s32 s13, s0;
	s13 =	sshrl.u32 s26, $0x3;
	s16 =	sor.u32 $0xE000, s23  }
0x17: {  	[dreg:$0x7] =	wrdreg s30;
	s22 =	simm.s32 $0x1;
	s23 =	simm.s32 $0x80  }
0x18: {  	s13 =	sadd.s32 s13, s3;
	s16 =	sshrl.u32 s16, $0x3;
	s0 =	sadd.s32 s28, s0  }
0x19: {  	[dreg:$0x9] =	wrdreg s13;
	s3 =	sadd.s32 s16, s3;
	s13 =	smax.u32 s14, $0x1  }
0x1a: {  	v0 =	vimm.f32 $0.0e+00;
	s14 =	sadd.s32 $0x100000, s0;
	s16 =	simm.s32 $0x3;
	[dreg:$0x6] =	wrdreg s3  }
.LBB2_1:
0x1b: {  	s25 =	simm.s32 $0x0;
	s26 =	simm.s32 $0x200  }
.LBB2_2:
0x1c: {  	p0 =	sne.s32 s26, $0x1E00;
	[tilespmem:s25+$0x10270] =	vst v0  }
0x1d: {  	[tilespmem:s25+$0x10200] =	vst v0  }
0x1e: {  	[tilespmem:s25+$0x10210] =	vst v0  }
.Ltmp0:
0x1f: {  	[tilespmem:s25+$0x10220] =	vst v0;
	(pc) =	sbr.rel @p0 .LBB2_2-.Ltmp0, $4  }
0x20: {  	[tilespmem:s25+$0x10230] =	vst v0  }
0x21: {  	[tilespmem:s25+$0x10240] =	vst v0  }
0x22: {  	[tilespmem:s25+$0x10250] =	vst v0  }
0x23: {  	[tilespmem:s25+$0x10260] =	vst v0;
	s25 =	sshra.s32 s26, $0x2;
	s26 =	sadd.s32 $0x200, s26  }
0x24: {  	[tilespmem:s25+$0x10270] =	vst v0  }
0x25: {  	[tilespmem:s25+$0x10200] =	vst v0  }
0x26: {  	[tilespmem:s25+$0x10210] =	vst v0  }
0x27: {  	[tilespmem:s25+$0x10220] =	vst v0  }
0x28: {  	[tilespmem:s25+$0x10230] =	vst v0  }
0x29: {  	[tilespmem:s25+$0x10240] =	vst v0  }
0x2a: {  	[tilespmem:s25+$0x10250] =	vst v0  }
0x2b: {  	[tilespmem:s25+$0x10260] =	vst v0;
	s0 =	simm.s32 $0x10200  }
0x2c: {  	[spmem:s5] =	stream.linear.scatter [tilespmem:s0], [sflag:$0x3], $0x800, $0x38;
	[tilespmem:$0x11200] =	vst v63  }
0x2d: {  	_ =	swait.ge [sflag:s16], $0x800  }
0x2e: {  	[sflag:s16] =	ssyncset.done $0x0  }
0x2f: {  	[sflag:s16] =	ssyncadd.s32 $0xFFFFF800  }
0x30: {  	s25 =	simm.s32 $0x0;
	[bflag:$0x0] =	sbarrier.arrive $0xFFFF  }
0x31: {  	[tilespmem:s25], [sflag:$0x1] =	stream.linear.gather [hbm4b:s6+s25], $0x8000, $0x38;
	[tilespmem:$0x11200] =	vst v63  }
0x32: {  	_ = 	snop  }
0x33: {  	[tilespmem:s17], [sflag:$0x1] =	stream.linear.gather [hbm4b:s7+s25], $0x80, $0x38;
	[tilespmem:$0x11200] =	vst v63  }
0x34: {  	_ = 	snop  }
0x35: {  	[tilespmem:s18], [sflag:$0x1] =	stream.linear.gather [hbm4b:s8+s25], $0x80, $0x38;
	[tilespmem:$0x11200] =	vst v63  }
0x36: {  	s3 =	simm.s32 $0x8000  }
0x37: {  	[tilespmem:s3], [sflag:$0x2] =	stream.linear.gather [hbm4b:s9+s25], $0x8000, $0x38;
	[tilespmem:$0x11200] =	vst v63  }
0x38: {  	s15 =	simm.s32 $0x10100  }
0x39: {  	[tilespmem:s15], [sflag:$0x2] =	stream.linear.gather [hbm4b:s10+s25], $0x80, $0x38;
	[tilespmem:$0x11200] =	vst v63  }
0x3a: {  	_ = 	snop  }
0x3b: {  	[tilespmem:s21], [sflag:$0x2] =	stream.linear.gather [hbm4b:s11+s25], $0x80, $0x38;
	[tilespmem:$0x11200] =	vst v63  }
0x3c: {  	_ =	swait.ge [sflag:s22], $0x8000  }
0x3d: {  	[sflag:s22] =	ssyncset.done $0x0  }
0x3e: {  	[sflag:s22] =	ssyncadd.s32 $0xFFFF8000  }
0x3f: {  	_ =	swait.ge [sflag:s22], $0x80  }
0x40: {  	[sflag:s22] =	ssyncset.done $0x0  }
0x41: {  	[sflag:s22] =	ssyncadd.s32 $0xFFFFFF80  }
0x42: {  	_ =	swait.ge [sflag:s22], $0x80  }
0x43: {  	[sflag:s22] =	ssyncset.done $0x0  }
0x44: {  	[sflag:s22] =	ssyncadd.s32 $0xFFFFFF80  }
0x45: {  	[spmem:s1] =	stream.indirect.scatter.add.f32 [tilespmem:s2], [sflag:$0x3], $0x80, s17, s23, $0xb8;
	[tilespmem:$0x11200] =	vst v63  }
0x46: {  	_ =	swait.ge [sflag:s16], $0x4000  }
0x47: {  	s20 =	sadd.s32 $0x0, s4;
	[sflag:s16] =	ssyncset.done $0x0  }
0x48: {  	s3 =	sadd.s32 $0x40, s20;
	s19 =	rddreg [dreg:$0x5];
	[sflag:s16] =	ssyncadd.s32 $0xFFFFC000  }
0x49: {  	[spmem:s1] =	stream.indirect.scatter.add.f32 [tilespmem:s19], [sflag:$0x3], $0x80, s18, s23, $0xb8;
	[tilespmem:$0x11200] =	vst v63  }
0x4a: {  	p1 =	sgt.u32 s3, $0xE5;
	_ =	swait.ge [sflag:s16], $0x4000  }
0x4b: {  	s26 =	sadd.s32 @!p1 $0xFFFE0000, s14;
	[sflag:s16] =	ssyncset.done $0x0;
	s15 =	rddreg [dreg:$0x7]  }
0x4c: {  	s28 =	simm.s32 @!p1 $0x0;
	s3 =	rddreg [dreg:$0x6];
	[sflag:s16] =	ssyncadd.s32 $0xFFFFC000  }
0x4d: {  	[tilespmem:s28], [sflag:$0x1] =	stream.linear.gather @!p1 [hbm4b:s26+s28], $0x8000, $0x38;
	[tilespmem:$0x11200] =	vst v63  }
0x4e: {  	s29 =	rddreg [dreg:$0x8];
	s3 =	sadd.s32 @!p1 $0x0, s3;
	s26 =	simm.s32 @!p1 $0x10000  }
0x4f: {  	[tilespmem:s26], [sflag:$0x1] =	stream.linear.gather @!p1 [hbm4b:s3+s28], $0x80, $0x38;
	[tilespmem:$0x11200] =	vst v63  }
0x50: {  	p0 =	sle.u32 s29, $0x0;
	s3 =	sadd.s32 @!p1 $0x0, s15;
	s15 =	simm.s32 @!p1 $0x10080  }
0x51: {  	[tilespmem:s15], [sflag:$0x1] =	stream.linear.gather @!p1 [hbm4b:s3+s28], $0x80, $0x38;
	[tilespmem:$0x11200] =	vst v63  }
0x52: {  	s3 =	simm.s32 @!p0 $0x2  }
0x53: {  	_ =	swait.ge @!p0 [sflag:s3], $0x8000  }
0x54: {  	[sflag:s3] =	ssyncset.done @!p0 $0x0  }
0x55: {  	[sflag:s3] =	ssyncadd.s32 @!p0 $0xFFFF8000  }
0x56: {  	_ =	swait.ge @!p0 [sflag:s3], $0x80  }
0x57: {  	[sflag:s3] =	ssyncset.done @!p0 $0x0  }
0x58: {  	[sflag:s3] =	ssyncadd.s32 @!p0 $0xFFFFFF80  }
0x59: {  	s0 =	sadd.s32 $0x60, s20;
	_ =	swait.ge @!p0 [sflag:s3], $0x80  }
0x5a: {  	s26 =	simm.s32 @!p0 $0x80;
	s15 =	simm.s32 @!p0 $0x8000;
	[sflag:s3] =	ssyncset.done @!p0 $0x0  }
0x5b: {  	s28 =	simm.s32 @!p0 $0x10100;
	[sflag:s3] =	ssyncadd.s32 @!p0 $0xFFFFFF80;
	s3 =	simm.s32 @!p0 $0x3  }
0x5c: {  	[spmem:s1] =	stream.indirect.scatter.add.f32 @!p0 [tilespmem:s15], [sflag:$0x3], $0x80, s28, s26, $0xb8;
	[tilespmem:$0x11200] =	vst v63  }
0x5d: {  	p2 =	sgt.u32 s0, $0xE5;
	_ =	swait.ge @!p0 [sflag:s3], $0x4000  }
0x5e: {  	s0 =	simm.s32 @!p2 $0x8000;
	[sflag:s3] =	ssyncset.done @!p0 $0x0  }
0x5f: {  	s15 =	simm.s32 @!p0 $0x10180;
	s28 =	simm.s32 @!p0 $0xC000;
	[sflag:s3] =	ssyncadd.s32 @!p0 $0xFFFFC000  }
0x60: {  	[spmem:s1] =	stream.indirect.scatter.add.f32 @!p0 [tilespmem:s28], [sflag:$0x3], $0x80, s15, s26, $0xb8;
	[tilespmem:$0x11200] =	vst v63  }
0x61: {  	s31 =	simm.s32 @!p2 $0x0;
	s30 =	simm.s32 @!p2 $0x10180;
	_ =	swait.ge @!p0 [sflag:s3], $0x4000  }
0x62: {  	s29 =	simm.s32 $0x40;
	s26 =	simm.s32 $0x800;
	[sflag:s3] =	ssyncset.done @!p0 $0x0  }
0x63: {  	s28 =	sadd.s32 $0x40000, s14;
	s15 =	rddreg [dreg:$0x9];
	[sflag:s3] =	ssyncadd.s32 @!p0 $0xFFFFC000  }
0x64: {  	[tilespmem:s0], [sflag:$0x2] =	stream.linear.gather @!p2 [hbm4b:s14+s31], $0x8000, $0x38;
	[tilespmem:$0x11200] =	vst v63  }
0x65: {  	s3 =	sadd.s32 @!p2 $0x0, s15;
	s15 =	simm.s32 @!p2 $0x10100;
	s0 =	rddreg [dreg:$0xa]  }
.LBB2_4:
0x66: {  	[tilespmem:s15], [sflag:$0x2] =	stream.linear.gather @!p2 [hbm4b:s3+s31], $0x80, $0x38;
	[tilespmem:$0x11200] =	vst v63  }
0x67: {  	s0 =	sadd.s32 @!p2 s25, s0  }
0x68: {  	[tilespmem:s30], [sflag:$0x2] =	stream.linear.gather @!p2 [hbm4b:s0+s31], $0x80, $0x38;
	[tilespmem:$0x11200] =	vst v63  }
0x69: {  	_ =	swait.ge [sflag:s22], $0x8000  }
0x6a: {  	[sflag:s22] =	ssyncset.done $0x0  }
0x6b: {  	[sflag:s22] =	ssyncadd.s32 $0xFFFF8000  }
0x6c: {  	_ =	swait.ge [sflag:s22], $0x80  }
0x6d: {  	[sflag:s22] =	ssyncset.done $0x0  }
0x6e: {  	[sflag:s22] =	ssyncadd.s32 $0xFFFFFF80  }
0x6f: {  	_ =	swait.ge [sflag:s22], $0x80  }
0x70: {  	[sflag:s22] =	ssyncset.done $0x0  }
0x71: {  	[sflag:s22] =	ssyncadd.s32 $0xFFFFFF80  }
0x72: {  	[spmem:s1] =	stream.indirect.scatter.add.f32 [tilespmem:s2], [sflag:$0x3], $0x80, s17, s23, $0xb8;
	[tilespmem:$0x11200] =	vst v63  }
0x73: {  	_ =	swait.ge [sflag:s16], $0x4000  }
0x74: {  	s0 =	sadd.s32 s29, s4;
	[sflag:s16] =	ssyncset.done $0x0  }
0x75: {  	s20 =	sadd.s32 $0x40, s0;
	s19 =	rddreg [dreg:$0x5];
	[sflag:s16] =	ssyncadd.s32 $0xFFFFC000  }
0x76: {  	[spmem:s1] =	stream.indirect.scatter.add.f32 [tilespmem:s19], [sflag:$0x3], $0x80, s18, s23, $0xb8;
	[tilespmem:$0x11200] =	vst v63  }
0x77: {  	s25 =	smov.u32 s26;
	p2 =	sgt.u32 s20, $0xE5;
	_ =	swait.ge [sflag:s16], $0x4000  }
0x78: {  	s31 =	sadd.s32 @!p2 $0xFFFE0000, s28;
	[sflag:s16] =	ssyncset.done $0x0;
	s15 =	rddreg [dreg:$0x7]  }
0x79: {  	s19 =	simm.s32 @!p2 $0x0;
	s3 =	rddreg [dreg:$0x6];
	[sflag:s16] =	ssyncadd.s32 $0xFFFFC000  }
0x7a: {  	[tilespmem:s19], [sflag:$0x1] =	stream.linear.gather @!p2 [hbm4b:s31+s19], $0x8000, $0x38;
	[tilespmem:$0x11200] =	vst v63  }
0x7b: {  	s20 =	rddreg [dreg:$0x8];
	s3 =	sadd.s32 @!p2 s25, s3;
	s31 =	simm.s32 @!p2 $0x10000  }
0x7c: {  	[tilespmem:s31], [sflag:$0x1] =	stream.linear.gather @!p2 [hbm4b:s3+s19], $0x80, $0x38;
	[tilespmem:$0x11200] =	vst v63  }
0x7d: {  	p1 =	sge.u32 s29, s20;
	s3 =	sadd.s32 @!p2 s25, s15;
	s15 =	simm.s32 @!p2 $0x10080  }
0x7e: {  	[tilespmem:s15], [sflag:$0x1] =	stream.linear.gather @!p2 [hbm4b:s3+s19], $0x80, $0x38;
	[tilespmem:$0x11200] =	vst v63  }
0x7f: {  	s3 =	simm.s32 @!p1 $0x2  }
0x80: {  	_ =	swait.ge @!p1 [sflag:s3], $0x8000  }
0x81: {  	[sflag:s3] =	ssyncset.done @!p1 $0x0  }
0x82: {  	[sflag:s3] =	ssyncadd.s32 @!p1 $0xFFFF8000  }
0x83: {  	_ =	swait.ge @!p1 [sflag:s3], $0x80  }
0x84: {  	[sflag:s3] =	ssyncset.done @!p1 $0x0  }
0x85: {  	s26 =	sadd.s32 $0x800, s26;
	[sflag:s3] =	ssyncadd.s32 @!p1 $0xFFFFFF80  }
0x86: {  	p0 =	sne.s32 s26, $0x2000;
	_ =	swait.ge @!p1 [sflag:s3], $0x80  }
0x87: {  	s20 =	simm.s32 @!p1 $0x10100;
	s15 =	simm.s32 @!p1 $0x8000;
	[sflag:s3] =	ssyncset.done @!p1 $0x0  }
0x88: {  	s19 =	simm.s32 @!p1 $0x80;
	[sflag:s3] =	ssyncadd.s32 @!p1 $0xFFFFFF80;
	s3 =	simm.s32 @!p1 $0x3  }
0x89: {  	[spmem:s1] =	stream.indirect.scatter.add.f32 @!p1 [tilespmem:s15], [sflag:$0x3], $0x80, s20, s19, $0xb8;
	[tilespmem:$0x11200] =	vst v63  }
0x8a: {  	s30 =	smov.u32 s28;
	s0 =	sadd.s32 $0x60, s0;
	_ =	swait.ge @!p1 [sflag:s3], $0x4000  }
0x8b: {  	s28 =	sadd.s32 $0x40000, s28;
	s29 =	sadd.s32 $0x40, s29;
	[sflag:s3] =	ssyncset.done @!p1 $0x0  }
0x8c: {  	s15 =	simm.s32 @!p1 $0x10180;
	s20 =	simm.s32 @!p1 $0xC000;
	[sflag:s3] =	ssyncadd.s32 @!p1 $0xFFFFC000  }
0x8d: {  	[spmem:s1] =	stream.indirect.scatter.add.f32 @!p1 [tilespmem:s20], [sflag:$0x3], $0x80, s15, s19, $0xb8;
	[tilespmem:$0x11200] =	vst v63  }
.Ltmp1:
0x8e: {  	p2 =	sgt.u32 s0, $0xE5;
	_ =	swait.ge @!p1 [sflag:s3], $0x4000;
	(pc) =	sbr.rel @p0 .LBB2_4-.Ltmp1, $4  }
0x8f: {  	s31 =	simm.s32 @!p2 $0x0;
	[sflag:s3] =	ssyncset.done @!p1 $0x0;
	s19 =	rddreg [dreg:$0x9]  }
0x90: {  	s15 =	simm.s32 @!p2 $0x8000;
	s0 =	rddreg [dreg:$0xa];
	[sflag:s3] =	ssyncadd.s32 @!p1 $0xFFFFC000  }
0x91: {  	[tilespmem:s15], [sflag:$0x2] =	stream.linear.gather @!p2 [hbm4b:s30+s31], $0x8000, $0x38;
	[tilespmem:$0x11200] =	vst v63  }
0x92: {  	s3 =	sadd.s32 @!p2 s25, s19;
	s15 =	simm.s32 @!p2 $0x10100;
	s30 =	simm.s32 @!p2 $0x10180  }
0x93: {  	[tilespmem:s15], [sflag:$0x2] =	stream.linear.gather @!p2 [hbm4b:s3+s31], $0x80, $0x38;
	[tilespmem:$0x11200] =	vst v63  }
0x94: {  	s0 =	sadd.s32 @!p2 s25, s0  }
0x95: {  	[tilespmem:s30], [sflag:$0x2] =	stream.linear.gather @!p2 [hbm4b:s0+s31], $0x80, $0x38;
	[tilespmem:$0x11200] =	vst v63  }
0x96: {  	s24 =	sadd.s32 $0x1, s24;
	s30 =	stileid.u32  }
0x97: {  	p0 =	sne.s32 s24, s13;
	s31 =	sshrl.u32 s5, $0x3;
	s0 =	sshll.u32 s30, $0x6  }
.Ltmp2:
0x98: {  	[bflag:$0x0] =	sbarrier.arrive $0xFFFF;
	s0 =	sor.u32 $0x1C03, s0;
	(pc) =	sbr.rel @p0 .LBB2_1-.Ltmp2, $4  }
0x99: {  	[hbm:s12], [sflag:s0] =	dma.local [spmem:s31], $0x100  }
0x9a: {  	_ =	swait.ge [sflag:s16], $0x100  }
0x9b: {  	[sflag:s16] =	ssyncset.done $0x0  }
0x9c: {  	[sflag:s16] =	ssyncadd.s32 $0xFFFFFF00  }
0x9d: {  	_ =	sfence.sel $0x180000  }
0x9e: {  	[bflag:$0x0] =	sbarrier.arrive $0xFFFF  }
0x9f: {  	_ =	strace $0x90000047  }
0xa0: {  	s0 =	stileid.u32;
	[bflag:$0x2] =	sbarrier.arrive $0xFFFF  }
0xa1: {  	p0 =	sne.s32 s0, $0x0;
	s0 =	rddreg [dreg:$0x4]  }
0xa2: {  	s0 =	sadd.s32 @!p0 $0x100000, s0  }
0xa3: {  	[sflag:s0] =	ssyncadd.tile.s32 @!p0 $0x1;
	_ =	shalt  }
.Lfunc_end2:
_tile_overlayer_lowered:
.L_overlay_start_2:
0xa4: {  	(tag) =	ssettag $0x2  }
0xa5: {  	s0 =	rddreg [dreg:$0x0];
	s2 =	stileid.u32  }
0xa6: {  	s1 =	rddreg [dreg:$0x1];
	p0 =	sne.s32 s2, $0x0  }
0xa7: {  	s3 =	rddreg [dreg:$0x2];
	[bflag:$0x3] =	sbarrier.arrive $0xFFFF;
	s2 =	simm.s32 @!p0 $0x1C03  }
0xa8: {  	[timem:s3], [sflag:s2] =	dma.local @!p0 [hbm:s0], s1  }
0xa9: {  	s0 =	simm.s32 @!p0 $0x3  }
0xaa: {  	_ =	swait.ge @!p0 [sflag:s0], s1  }
0xab: {  	s1 =	ssub.s32 @!p0 $0x0, s1;
	[sflag:s0] =	ssyncset.done @!p0 $0x0  }
0xac: {  	[sflag:s0] =	ssyncadd.s32 @!p0 s1  }
0xad: {  	[bflag:$0x3] =	sbarrier.arrive $0xFFFF  }
0xae: {  	_ =	shalt  }

</sc_bundles>
